<compile_context>
chip_gen: v7x
topology: tpu7x:2x2x1
jax: 0.10.2.dev20260603
libtpu: 0.0.44.dev20260713+nightly
codegen_flags: <defaults>
</compile_context>

<pallas_src>
import functools

import jax
import jax.numpy as jnp
from jax import lax
from jax.experimental import pallas as pl
from jax.experimental.pallas import tpu as pltpu
from jax.experimental.pallas import tpu_sc as plsc

N = 10000
E = 320000
D_IN = 128
D_OUT = 128
D_HID = 256

NC = 2
NS = 16
L = 16
CK = 64

NCH_F = (-(-(E // NS) // CK) + 1) // 2 * 2
NCH_E = (-(-(E // (NC * NS)) // CK) + 1) // 2 * 2

STRIPE = 632

_MESH = plsc.VectorSubcoreMesh(
    core_axis_name="c", subcore_axis_name="s", num_cores=NC, num_subcores=NS
)


@functools.partial(
    pl.kernel,
    mesh=_MESH,
    out_type=jax.ShapeDtypeStruct((2 * N, 128), jnp.float32),
    scratch_types=[
        pltpu.VMEM_SHARED((N + 8, 128), jnp.float32),
        pltpu.VMEM((CK,), jnp.int32),
        pltpu.VMEM((CK, 128), jnp.float32),
    ],
)
def _sc_degree(col_hbm, z_hbm, ones_hbm, out, hist, cidx, ones_v):
    c = lax.axis_index("c")
    s = lax.axis_index("s")
    r0 = jnp.minimum(s * STRIPE, N - STRIPE)
    pltpu.sync_copy(ones_hbm, ones_v)
    pltpu.sync_copy(z_hbm.at[pl.ds(r0, STRIPE)], hist.at[pl.ds(r0, STRIPE)])
    plsc.subcore_barrier()

    base0 = (c * NS + s) * NCH_E

    def body(i, carry):
        pltpu.sync_copy(col_hbm.at[pl.ds((base0 + i) * CK, CK)], cidx)
        pltpu.sync_copy(ones_v, hist.at[cidx], add=True)
        return carry

    lax.fori_loop(0, NCH_E, body, 0)
    plsc.subcore_barrier()
    pltpu.sync_copy(hist.at[pl.ds(r0, STRIPE)], out.at[pl.ds(c * N + r0, STRIPE)])


def _make_sc_scatter(feature_split):
    nchunk = NCH_F if feature_split else NCH_E

    @functools.partial(
        pl.kernel,
        mesh=_MESH,
        out_type=jax.ShapeDtypeStruct((2 * N, 128), jnp.float32),
        scratch_types=[
            pltpu.VMEM_SHARED((N + 8, 128), jnp.float32),
            pltpu.VMEM((CK,), jnp.int32),
            pltpu.VMEM((CK,), jnp.int32),
            pltpu.VMEM((CK,), jnp.int32),
            pltpu.VMEM((CK,), jnp.int32),
            pltpu.VMEM((CK, 128), jnp.float32),
            pltpu.VMEM((CK, 128), jnp.float32),
        ],
    )
    def scat_kernel(g_hbm, row_hbm, col_hbm, z_hbm, out,
                    acc, ridx0, cidx0, ridx1, cidx1, gb0, gb1):
        c = lax.axis_index("c")
        s = lax.axis_index("s")
        r0 = jnp.minimum(s * STRIPE, N - STRIPE)
        pltpu.sync_copy(z_hbm.at[pl.ds(r0, STRIPE)], acc.at[pl.ds(r0, STRIPE)])
        plsc.subcore_barrier()

        if feature_split:
            rbase = (c * NS + s) * nchunk
            cbase = s * nchunk
        else:
            rbase = cbase = (c * NS + s) * nchunk

        def load_idx(j, ridx, cidx):
            pltpu.sync_copy(row_hbm.at[pl.ds((rbase + j) * CK, CK)], ridx)
            pltpu.sync_copy(col_hbm.at[pl.ds((cbase + j) * CK, CK)], cidx)

        def run(sem0, sem1):
            load_idx(0, ridx0, cidx0)
            load_idx(1, ridx1, cidx1)
            pltpu.async_copy(g_hbm.at[ridx0], gb0, sem0)
            pltpu.async_copy(g_hbm.at[ridx1], gb1, sem1)

            def body(g, carry):
                j0 = 2 * g
                pltpu.make_async_copy(g_hbm.at[pl.ds(0, CK)], gb0, sem0).wait()
                pltpu.sync_copy(gb0, acc.at[cidx0], add=True)
                load_idx(j0 + 2, ridx0, cidx0)
                pltpu.async_copy(g_hbm.at[ridx0], gb0, sem0)
                pltpu.make_async_copy(g_hbm.at[pl.ds(0, CK)], gb1, sem1).wait()
                pltpu.sync_copy(gb1, acc.at[cidx1], add=True)
                load_idx(j0 + 3, ridx1, cidx1)
                pltpu.async_copy(g_hbm.at[ridx1], gb1, sem1)
                return carry

            lax.fori_loop(0, nchunk // 2 - 1, body, 0)
            pltpu.make_async_copy(g_hbm.at[pl.ds(0, CK)], gb0, sem0).wait()
            pltpu.sync_copy(gb0, acc.at[cidx0], add=True)
            pltpu.make_async_copy(g_hbm.at[pl.ds(0, CK)], gb1, sem1).wait()
            pltpu.sync_copy(gb1, acc.at[cidx1], add=True)

        pl.run_scoped(run, pltpu.SemaphoreType.DMA, pltpu.SemaphoreType.DMA)
        plsc.subcore_barrier()
        pltpu.sync_copy(acc.at[pl.ds(r0, STRIPE)], out.at[pl.ds(c * N + r0, STRIPE)])

    return scat_kernel


_sc_scatter_feat = _make_sc_scatter(True)
_sc_scatter_edge = _make_sc_scatter(False)


BN = 2000
NB = N // BN


def _dinv_block(da, db):
    cnt = (jnp.sum(da, axis=1, keepdims=True)
           + jnp.sum(db, axis=1, keepdims=True)) * (1.0 / 128.0) + 1.0
    return lax.rsqrt(cnt)


def _tc_m1(x, W1, deg2):

    def kern(x_ref, w_ref, da_ref, db_ref, g_ref):
        dinv = _dinv_block(da_ref[...], db_ref[...])
        xs = x_ref[...] * dinv
        g_ref[...] = jnp.dot(xs, w_ref[...], preferred_element_type=jnp.float32)

    return pl.pallas_call(
        kern,
        grid=(2, NB),
        in_specs=[
            pl.BlockSpec((BN, D_IN), lambda j, i: (i, 0)),
            pl.BlockSpec((D_IN, 128), lambda j, i: (0, j)),
            pl.BlockSpec((BN, 128), lambda j, i: (i, 0)),
            pl.BlockSpec((BN, 128), lambda j, i: (NB + i, 0)),
        ],
        out_specs=pl.BlockSpec((BN, 128), lambda j, i: (j * NB + i, 0)),
        out_shape=jax.ShapeDtypeStruct((2 * N, 128), jnp.float32),
    )(x, W1, deg2, deg2)


def _tc_m2(s1, g1, deg2, b1a, b1b, W2):
    def kern(sa_ref, sb_ref, ga_ref, gb_ref, da_ref, db_ref,
             ba_ref, bb_ref, w_ref, g2_ref):
        dinv = _dinv_block(da_ref[...], db_ref[...])
        z1a = jnp.maximum(dinv * (sa_ref[...] + ga_ref[...]) + ba_ref[...], 0.0)
        z1b = jnp.maximum(dinv * (sb_ref[...] + gb_ref[...]) + bb_ref[...], 0.0)
        h2 = (jnp.dot(z1a, w_ref[:128, :], preferred_element_type=jnp.float32)
              + jnp.dot(z1b, w_ref[128:, :], preferred_element_type=jnp.float32))
        g2_ref[...] = dinv * h2

    return pl.pallas_call(
        kern,
        grid=(NB,),
        in_specs=[
            pl.BlockSpec((BN, 128), lambda i: (i, 0)),
            pl.BlockSpec((BN, 128), lambda i: (NB + i, 0)),
            pl.BlockSpec((BN, 128), lambda i: (i, 0)),
            pl.BlockSpec((BN, 128), lambda i: (NB + i, 0)),
            pl.BlockSpec((BN, 128), lambda i: (i, 0)),
            pl.BlockSpec((BN, 128), lambda i: (NB + i, 0)),
            pl.BlockSpec((1, 128), lambda i: (0, 0)),
            pl.BlockSpec((1, 128), lambda i: (0, 0)),
            pl.BlockSpec((D_HID, D_OUT), lambda i: (0, 0)),
        ],
        out_specs=pl.BlockSpec((BN, D_OUT), lambda i: (i, 0)),
        out_shape=jax.ShapeDtypeStruct((N, D_OUT), jnp.float32),
    )(s1, s1, g1, g1, deg2, deg2, b1a, b1b, W2)


def _tc_m3(s2, g2, deg2, b2):
    def kern(sa_ref, sb_ref, g_ref, da_ref, db_ref, b_ref, out_ref):
        dinv = _dinv_block(da_ref[...], db_ref[...])
        out_ref[...] = jnp.maximum(
            dinv * (sa_ref[...] + sb_ref[...] + g_ref[...]) + b_ref[...], 0.0
        )

    return pl.pallas_call(
        kern,
        grid=(NB,),
        in_specs=[
            pl.BlockSpec((BN, 128), lambda i: (i, 0)),
            pl.BlockSpec((BN, 128), lambda i: (NB + i, 0)),
            pl.BlockSpec((BN, 128), lambda i: (i, 0)),
            pl.BlockSpec((BN, 128), lambda i: (i, 0)),
            pl.BlockSpec((BN, 128), lambda i: (NB + i, 0)),
            pl.BlockSpec((1, 128), lambda i: (0, 0)),
        ],
        out_specs=pl.BlockSpec((BN, D_OUT), lambda i: (i, 0)),
        out_shape=jax.ShapeDtypeStruct((N, D_OUT), jnp.float32),
    )(s2, s2, g2, deg2, deg2, b2)


def _pad_chunks(a, nspan, nch, pad_val):
    span = E // nspan
    a2 = jnp.pad(a.reshape(nspan, span), ((0, 0), (0, nch * CK - span)),
                 constant_values=pad_val)
    return a2.reshape(-1)


def kernel(x, edge_index, idx, W1, b1, W2, b2):
    del idx
    row = edge_index[0]
    col = edge_index[1]
    zeros128 = jnp.zeros((N, 128), jnp.float32)
    ones128 = jnp.ones((CK, 128), jnp.float32)
    b1a = b1[:128].reshape(1, 128)
    b1b = b1[128:].reshape(1, 128)
    b2r = b2.reshape(1, 128)

    row_f0 = _pad_chunks(row, NS, NCH_F, 0)
    row_f = jnp.concatenate([row_f0, row_f0 + N], axis=0)
    col_f = _pad_chunks(col, NS, NCH_F, N)
    row_e = _pad_chunks(row, NC * NS, NCH_E, 0)
    col_e = _pad_chunks(col, NC * NS, NCH_E, N)

    deg2 = _sc_degree(col_e, zeros128, ones128)
    g1 = _tc_m1(x, W1, deg2)
    s1 = _sc_scatter_feat(g1, row_f, col_f, zeros128)
    g2 = _tc_m2(s1, g1, deg2, b1a, b1b, W2)
    s2 = _sc_scatter_edge(g2, row_e, col_e, zeros128)
    return _tc_m3(s2, g2, deg2, b2r)

# --- scband reference (transcript-rebuilt; emitter-appended) ---
"""Pipeline reference for scband-re-gcl-88029649699098 (READ-ONLY COPY).

The authoritative reference and input builder live on the scoring server;
editing this copy changes nothing except your own understanding.
"""

import jax, jax.numpy as jnp
import numpy as np

N_NODES = 10000
N_EDGES = 320000
D_IN = 128
D_OUT = 128
D_HID = 2 * D_OUT


def setup_inputs(seed: int = 0) -> dict:
    key = jax.random.key(seed)
    k1, k2, k3, k4, k5, k6 = jax.random.split(key, 6)
    x = jax.random.normal(k1, (N_NODES, D_IN), dtype=jnp.float32)
    edge_index = jax.random.randint(k2, (2, N_EDGES), 0, N_NODES, dtype=jnp.int32)
    # GCNConv layer parameters (glorot-style init)
    W1 = jax.random.normal(k3, (D_IN, D_HID), dtype=jnp.float32) * (1.0 / np.sqrt(D_IN))
    b1 = jnp.zeros((D_HID,), dtype=jnp.float32)
    W2 = jax.random.normal(k4, (D_HID, D_OUT), dtype=jnp.float32) * (1.0 / np.sqrt(D_HID))
    b2 = jnp.zeros((D_OUT,), dtype=jnp.float32)
    return {"x": x, "edge_index": edge_index, "idx": 1, "W1": W1, "b1": b1, "W2": W2, "b2": b2}


def gcn_layer(x, edge_index, edge_weight, W, b):
    # Faithful PyG GCNConv: x @ W, add self-loops (weight 1), symmetric normalization,
    # scatter-add messages to dst, plus bias.
    N = x.shape[0]
    h = x @ W
    row = edge_index[0]
    col = edge_index[1]
    loop = jnp.arange(N, dtype=row.dtype)
    row = jnp.concatenate([row, loop])
    col = jnp.concatenate([col, loop])
    w = jnp.concatenate([edge_weight, jnp.ones((N,), dtype=x.dtype)])
    deg = jnp.zeros((N,), dtype=x.dtype).at[col].add(w)
    dinv = jnp.where(deg > 0, deg ** -0.5, 0.0)
    norm = dinv[row] * w * dinv[col]
    out = jnp.zeros_like(h).at[col].add(h[row] * norm[:, None])
    return out + b


def reference(x, edge_index, idx, W1, b1, W2, b2):
    # ReGCLEncoder forward with pre_z1=None (first-pass / mode 1 path):
    # edge_weight = ones, then k=2 GCNConv layers each followed by activation (relu).
    edge_weight = jnp.ones((edge_index.shape[1],), dtype=x.dtype)
    h = jax.nn.relu(gcn_layer(x, edge_index, edge_weight, W1, b1))
    h = jax.nn.relu(gcn_layer(h, edge_index, edge_weight, W2, b2))
    return h


if False:  # reference __main__ guard neutralized (emitter)
    inp = setup_inputs()
    out = reference(**inp)
    print(out.shape, out.dtype)

if __name__ == "__main__":
    import jax
    _d = setup_inputs()
    print(jax.jit(kernel)(*tuple(_d.values())))

</pallas_src>

<mosaic_0001>
#map = affine_map<(d0, d1) -> (0)>
#map1 = affine_map<(d0, d1) -> (0, 0)>
module attributes {stable_mosaic.version = 14 : i64} {
  func.func @_sc_degree(%arg0: i32, %arg1: i32, %arg2: memref<323584xi32, #tpu.memory_space<hbm>>, %arg3: memref<10000x128xf32, #tpu.memory_space<hbm>>, %arg4: memref<64x128xf32, #tpu.memory_space<hbm>>, %arg5: memref<20000x128xf32, #tpu.memory_space<hbm>>, %arg6: memref<10008x128xf32, #tpu.memory_space<vmem_shared>>, %arg7: memref<64xi32, #tpu.memory_space<vmem>>, %arg8: memref<64x128xf32, #tpu.memory_space<vmem>>) attributes {dimension_semantics = [#tpu.dimension_semantics<core_parallel>, #tpu.dimension_semantics<subcore_parallel>], iteration_bounds = array<i64: 2, 16>, scalar_prefetch = 0 : i64, scratch_operands = 3 : i64, tpu.core_type = #tpu.core_type<sc_vector_subcore>, window_params = [{transform_indices = #map}, {transform_indices = #map1}, {transform_indices = #map1}, {transform_indices = #map1}]} {
    %mul3A = arith.constant 632 : i32
    %mul3A_0 = arith.muli %arg1, %mul3A : i32
    %min3A = arith.constant 9368 : i32
    %min3A_1 = arith.minsi %mul3A_0, %min3A : i32
    "tpu.region"() ({
      %run_scoped3A = tpu.sem_alloc : memref<!tpu.dma_semaphore, #tpu.memory_space<semaphore_mem>>
      tpu.enqueue_dma source(%arg4 : memref<64x128xf32, #tpu.memory_space<hbm>>) target(%arg8 : memref<64x128xf32, #tpu.memory_space<vmem>>) target_semaphore(%run_scoped3A : memref<!tpu.dma_semaphore, #tpu.memory_space<semaphore_mem>>)
      tpu.wait_dma2 semaphore(%run_scoped3A : memref<!tpu.dma_semaphore, #tpu.memory_space<semaphore_mem>>) src(%arg4 : memref<64x128xf32, #tpu.memory_space<hbm>>) dst(%arg8 : memref<64x128xf32, #tpu.memory_space<vmem>>)
      tpu.yield
    }) : () -> ()
    "tpu.region"() ({
      %run_scoped3A = tpu.sem_alloc : memref<!tpu.dma_semaphore, #tpu.memory_space<semaphore_mem>>
      %dma_start3A = arith.constant 0 : i32
      %dma_start3A_15 = tpu.memref_slice %arg6[%min3A_1, %dma_start3A] : memref<10008x128xf32, #tpu.memory_space<vmem_shared>> -> memref<632x128xf32, #tpu.memory_space<vmem_shared>>
      %dma_start3A_16 = arith.constant 0 : i32
      %dma_start3A_17 = tpu.memref_slice %arg3[%min3A_1, %dma_start3A_16] : memref<10000x128xf32, #tpu.memory_space<hbm>> -> memref<632x128xf32, #tpu.memory_space<hbm>>
      tpu.enqueue_dma source(%dma_start3A_17 : memref<632x128xf32, #tpu.memory_space<hbm>>) target(%dma_start3A_15 : memref<632x128xf32, #tpu.memory_space<vmem_shared>>) target_semaphore(%run_scoped3A : memref<!tpu.dma_semaphore, #tpu.memory_space<semaphore_mem>>)
      %dma_wait3A = arith.constant 0 : i32
      %dma_wait3A_18 = tpu.memref_slice %arg6[%min3A_1, %dma_wait3A] : memref<10008x128xf32, #tpu.memory_space<vmem_shared>> -> memref<632x128xf32, #tpu.memory_space<vmem_shared>>
      %dma_wait3A_19 = arith.constant 0 : i32
      %dma_wait3A_20 = tpu.memref_slice %arg3[%min3A_1, %dma_wait3A_19] : memref<10000x128xf32, #tpu.memory_space<hbm>> -> memref<632x128xf32, #tpu.memory_space<hbm>>
      tpu.wait_dma2 semaphore(%run_scoped3A : memref<!tpu.dma_semaphore, #tpu.memory_space<semaphore_mem>>) src(%dma_wait3A_20 : memref<632x128xf32, #tpu.memory_space<hbm>>) dst(%dma_wait3A_18 : memref<632x128xf32, #tpu.memory_space<vmem_shared>>)
      tpu.yield
    }) : () -> ()
    %barrier3A = arith.constant 0 : index
    tpu.barrier barrier_id(%barrier3A)
    %mul3A_2 = arith.constant 16 : i32
    %mul3A_3 = arith.muli %arg0, %mul3A_2 : i32
    %add3A = arith.addi %mul3A_3, %arg1 : i32
    %mul3A_4 = arith.constant 158 : i32
    %mul3A_5 = arith.muli %add3A, %mul3A_4 : i32
    %scan3A = arith.constant 0 : i32
    %scan3A_6 = arith.constant 0 : i32
    %scan3A_7 = arith.constant 158 : i32
    %scan3A_8 = arith.addi %scan3A_6, %scan3A_7 : i32
    %scan3A_9 = arith.constant 1 : i32
    scf.for %scan3A_15 = %scan3A_6 to %scan3A_8 step %scan3A_9  : i32 {
      %add3A_16 = arith.addi %mul3A_5, %scan3A_15 : i32
      %mul3A_17 = arith.constant 64 : i32
      %mul3A_18 = arith.muli %add3A_16, %mul3A_17 : i32
      "tpu.region"() ({
        %run_scoped3A = tpu.sem_alloc : memref<!tpu.dma_semaphore, #tpu.memory_space<semaphore_mem>>
        %dma_start3A = tpu.memref_slice %arg2[%mul3A_18] : memref<323584xi32, #tpu.memory_space<hbm>> -> memref<64xi32, #tpu.memory_space<hbm>>
        %dma_start3A_19 = tpu.memref_slice %arg2[%mul3A_18] : memref<323584xi32, #tpu.memory_space<hbm>> -> memref<64xi32, #tpu.memory_space<hbm>>
        tpu.enqueue_dma source(%dma_start3A_19 : memref<64xi32, #tpu.memory_space<hbm>>) target(%arg7 : memref<64xi32, #tpu.memory_space<vmem>>) target_semaphore(%run_scoped3A : memref<!tpu.dma_semaphore, #tpu.memory_space<semaphore_mem>>)
        %dma_wait3A = tpu.memref_slice %arg2[%mul3A_18] : memref<323584xi32, #tpu.memory_space<hbm>> -> memref<64xi32, #tpu.memory_space<hbm>>
        %dma_wait3A_20 = tpu.memref_slice %arg2[%mul3A_18] : memref<323584xi32, #tpu.memory_space<hbm>> -> memref<64xi32, #tpu.memory_space<hbm>>
        tpu.wait_dma2 semaphore(%run_scoped3A : memref<!tpu.dma_semaphore, #tpu.memory_space<semaphore_mem>>) src(%dma_wait3A_20 : memref<64xi32, #tpu.memory_space<hbm>>) dst(%arg7 : memref<64xi32, #tpu.memory_space<vmem>>)
        tpu.yield
      }) : () -> ()
      "tpu.region"() ({
        %run_scoped3A = tpu.sem_alloc : memref<!tpu.dma_semaphore, #tpu.memory_space<semaphore_mem>>
        %dma_start3A = arith.constant 0 : i32
        %dma_start3A_19 = arith.constant 0 : i32
        %dma_start3A_20 = tpu.memref_slice %arg6[%dma_start3A, %dma_start3A_19] : memref<10008x128xf32, #tpu.memory_space<vmem_shared>> -> memref<10008x128xf32, #tpu.memory_space<vmem_shared>>
        tpu.enqueue_indirect_dma source(%arg8 : memref<64x128xf32, #tpu.memory_space<vmem>>) target(%dma_start3A_20 : memref<10008x128xf32, #tpu.memory_space<vmem_shared>>) offsets(%arg7 : memref<64xi32, #tpu.memory_space<vmem>>) semaphore(%run_scoped3A : memref<!tpu.dma_semaphore, #tpu.memory_space<semaphore_mem>>) {add = true}
        %dma_wait3A = arith.constant 0 : i32
        %dma_wait3A_21 = arith.constant 0 : i32
        %dma_wait3A_22 = tpu.memref_slice %arg6[%dma_wait3A, %dma_wait3A_21] : memref<10008x128xf32, #tpu.memory_space<vmem_shared>> -> memref<10008x128xf32, #tpu.memory_space<vmem_shared>>
        tpu.wait_indirect_dma semaphore(%run_scoped3A : memref<!tpu.dma_semaphore, #tpu.memory_space<semaphore_mem>>) src(%arg8 : memref<64x128xf32, #tpu.memory_space<vmem>>) dst(%dma_wait3A_22 : memref<10008x128xf32, #tpu.memory_space<vmem_shared>>)
        tpu.yield
      }) : () -> ()
    }
    %scan3A_10 = arith.constant 158 : i32
    %barrier3A_11 = arith.constant 0 : index
    tpu.barrier barrier_id(%barrier3A_11)
    %mul3A_12 = arith.constant 10000 : i32
    %mul3A_13 = arith.muli %arg0, %mul3A_12 : i32
    %add3A_14 = arith.addi %mul3A_13, %min3A_1 : i32
    "tpu.region"() ({
      %run_scoped3A = tpu.sem_alloc : memref<!tpu.dma_semaphore, #tpu.memory_space<semaphore_mem>>
      %dma_start3A = arith.constant 0 : i32
      %dma_start3A_15 = tpu.memref_slice %arg5[%add3A_14, %dma_start3A] : memref<20000x128xf32, #tpu.memory_space<hbm>> -> memref<632x128xf32, #tpu.memory_space<hbm>>
      %dma_start3A_16 = arith.constant 0 : i32
      %dma_start3A_17 = tpu.memref_slice %arg6[%min3A_1, %dma_start3A_16] : memref<10008x128xf32, #tpu.memory_space<vmem_shared>> -> memref<632x128xf32, #tpu.memory_space<vmem_shared>>
      tpu.enqueue_dma source(%dma_start3A_17 : memref<632x128xf32, #tpu.memory_space<vmem_shared>>) target(%dma_start3A_15 : memref<632x128xf32, #tpu.memory_space<hbm>>) target_semaphore(%run_scoped3A : memref<!tpu.dma_semaphore, #tpu.memory_space<semaphore_mem>>)
      %dma_wait3A = arith.constant 0 : i32
      %dma_wait3A_18 = tpu.memref_slice %arg5[%add3A_14, %dma_wait3A] : memref<20000x128xf32, #tpu.memory_space<hbm>> -> memref<632x128xf32, #tpu.memory_space<hbm>>
      %dma_wait3A_19 = arith.constant 0 : i32
      %dma_wait3A_20 = tpu.memref_slice %arg6[%min3A_1, %dma_wait3A_19] : memref<10008x128xf32, #tpu.memory_space<vmem_shared>> -> memref<632x128xf32, #tpu.memory_space<vmem_shared>>
      tpu.wait_dma2 semaphore(%run_scoped3A : memref<!tpu.dma_semaphore, #tpu.memory_space<semaphore_mem>>) src(%dma_wait3A_20 : memref<632x128xf32, #tpu.memory_space<vmem_shared>>) dst(%dma_wait3A_18 : memref<632x128xf32, #tpu.memory_space<hbm>>)
      tpu.yield
    }) : () -> ()
    return
  }
}

#map = affine_map<(d0, d1) -> (0, 0)>
#map1 = affine_map<(d0, d1) -> (0)>
module attributes {stable_mosaic.version = 14 : i64} {
  func.func @scat_kernel(%arg0: i32, %arg1: i32, %arg2: memref<10000x128xf32, #tpu.memory_space<hbm>>, %arg3: memref<323584xi32, #tpu.memory_space<hbm>>, %arg4: memref<323584xi32, #tpu.memory_space<hbm>>, %arg5: memref<10000x128xf32, #tpu.memory_space<hbm>>, %arg6: memref<20000x128xf32, #tpu.memory_space<hbm>>, %arg7: memref<10008x128xf32, #tpu.memory_space<vmem_shared>>, %arg8: memref<64xi32, #tpu.memory_space<vmem>>, %arg9: memref<64xi32, #tpu.memory_space<vmem>>, %arg10: memref<64xi32, #tpu.memory_space<vmem>>, %arg11: memref<64xi32, #tpu.memory_space<vmem>>, %arg12: memref<64x128xf32, #tpu.memory_space<vmem>>, %arg13: memref<64x128xf32, #tpu.memory_space<vmem>>) attributes {dimension_semantics = [#tpu.dimension_semantics<core_parallel>, #tpu.dimension_semantics<subcore_parallel>], iteration_bounds = array<i64: 2, 16>, scalar_prefetch = 0 : i64, scratch_operands = 7 : i64, tpu.core_type = #tpu.core_type<sc_vector_subcore>, window_params = [{transform_indices = #map}, {transform_indices = #map1}, {transform_indices = #map1}, {transform_indices = #map}, {transform_indices = #map}]} {
    %mul3A = arith.constant 632 : i32
    %mul3A_0 = arith.muli %arg1, %mul3A : i32
    %min3A = arith.constant 9368 : i32
    %min3A_1 = arith.minsi %mul3A_0, %min3A : i32
    "tpu.region"() ({
      %run_scoped3A = tpu.sem_alloc : memref<!tpu.dma_semaphore, #tpu.memory_space<semaphore_mem>>
      %dma_start3A = arith.constant 0 : i32
      %dma_start3A_10 = tpu.memref_slice %arg7[%min3A_1, %dma_start3A] : memref<10008x128xf32, #tpu.memory_space<vmem_shared>> -> memref<632x128xf32, #tpu.memory_space<vmem_shared>>
      %dma_start3A_11 = arith.constant 0 : i32
      %dma_start3A_12 = tpu.memref_slice %arg5[%min3A_1, %dma_start3A_11] : memref<10000x128xf32, #tpu.memory_space<hbm>> -> memref<632x128xf32, #tpu.memory_space<hbm>>
      tpu.enqueue_dma source(%dma_start3A_12 : memref<632x128xf32, #tpu.memory_space<hbm>>) target(%dma_start3A_10 : memref<632x128xf32, #tpu.memory_space<vmem_shared>>) target_semaphore(%run_scoped3A : memref<!tpu.dma_semaphore, #tpu.memory_space<semaphore_mem>>)
      %dma_wait3A = arith.constant 0 : i32
      %dma_wait3A_13 = tpu.memref_slice %arg7[%min3A_1, %dma_wait3A] : memref<10008x128xf32, #tpu.memory_space<vmem_shared>> -> memref<632x128xf32, #tpu.memory_space<vmem_shared>>
      %dma_wait3A_14 = arith.constant 0 : i32
      %dma_wait3A_15 = tpu.memref_slice %arg5[%min3A_1, %dma_wait3A_14] : memref<10000x128xf32, #tpu.memory_space<hbm>> -> memref<632x128xf32, #tpu.memory_space<hbm>>
      tpu.wait_dma2 semaphore(%run_scoped3A : memref<!tpu.dma_semaphore, #tpu.memory_space<semaphore_mem>>) src(%dma_wait3A_15 : memref<632x128xf32, #tpu.memory_space<hbm>>) dst(%dma_wait3A_13 : memref<632x128xf32, #tpu.memory_space<vmem_shared>>)
      tpu.yield
    }) : () -> ()
    %barrier3A = arith.constant 0 : index
    tpu.barrier barrier_id(%barrier3A)
    %mul3A_2 = arith.constant 16 : i32
    %mul3A_3 = arith.muli %arg0, %mul3A_2 : i32
    %add3A = arith.addi %mul3A_3, %arg1 : i32
    %mul3A_4 = arith.constant 158 : i32
    %mul3A_5 = arith.muli %add3A, %mul3A_4 : i32
    "tpu.region"() ({
      %run_scoped3A = tpu.sem_alloc : memref<!tpu.dma_semaphore, #tpu.memory_space<semaphore_mem>>
      %run_scoped3A_10 = tpu.sem_alloc : memref<!tpu.dma_semaphore, #tpu.memory_space<semaphore_mem>>
      %add3A_11 = arith.constant 0 : i32
      %add3A_12 = arith.addi %mul3A_5, %add3A_11 : i32
      %mul3A_13 = arith.constant 64 : i32
      %mul3A_14 = arith.muli %add3A_12, %mul3A_13 : i32
      "tpu.region"() ({
        %run_scoped3A_48 = tpu.sem_alloc : memref<!tpu.dma_semaphore, #tpu.memory_space<semaphore_mem>>
        %dma_start3A_49 = tpu.memref_slice %arg3[%mul3A_14] : memref<323584xi32, #tpu.memory_space<hbm>> -> memref<64xi32, #tpu.memory_space<hbm>>
        %dma_start3A_50 = tpu.memref_slice %arg3[%mul3A_14] : memref<323584xi32, #tpu.memory_space<hbm>> -> memref<64xi32, #tpu.memory_space<hbm>>
        tpu.enqueue_dma source(%dma_start3A_50 : memref<64xi32, #tpu.memory_space<hbm>>) target(%arg8 : memref<64xi32, #tpu.memory_space<vmem>>) target_semaphore(%run_scoped3A_48 : memref<!tpu.dma_semaphore, #tpu.memory_space<semaphore_mem>>)
        %dma_wait3A_51 = tpu.memref_slice %arg3[%mul3A_14] : memref<323584xi32, #tpu.memory_space<hbm>> -> memref<64xi32, #tpu.memory_space<hbm>>
        %dma_wait3A_52 = tpu.memref_slice %arg3[%mul3A_14] : memref<323584xi32, #tpu.memory_space<hbm>> -> memref<64xi32, #tpu.memory_space<hbm>>
        tpu.wait_dma2 semaphore(%run_scoped3A_48 : memref<!tpu.dma_semaphore, #tpu.memory_space<semaphore_mem>>) src(%dma_wait3A_52 : memref<64xi32, #tpu.memory_space<hbm>>) dst(%arg8 : memref<64xi32, #tpu.memory_space<vmem>>)
        tpu.yield
      }) : () -> ()
      %add3A_15 = arith.constant 0 : i32
      %add3A_16 = arith.addi %mul3A_5, %add3A_15 : i32
      %mul3A_17 = arith.constant 64 : i32
      %mul3A_18 = arith.muli %add3A_16, %mul3A_17 : i32
      "tpu.region"() ({
        %run_scoped3A_48 = tpu.sem_alloc : memref<!tpu.dma_semaphore, #tpu.memory_space<semaphore_mem>>
        %dma_start3A_49 = tpu.memref_slice %arg4[%mul3A_18] : memref<323584xi32, #tpu.memory_space<hbm>> -> memref<64xi32, #tpu.memory_space<hbm>>
        %dma_start3A_50 = tpu.memref_slice %arg4[%mul3A_18] : memref<323584xi32, #tpu.memory_space<hbm>> -> memref<64xi32, #tpu.memory_space<hbm>>
        tpu.enqueue_dma source(%dma_start3A_50 : memref<64xi32, #tpu.memory_space<hbm>>) target(%arg9 : memref<64xi32, #tpu.memory_space<vmem>>) target_semaphore(%run_scoped3A_48 : memref<!tpu.dma_semaphore, #tpu.memory_space<semaphore_mem>>)
        %dma_wait3A_51 = tpu.memref_slice %arg4[%mul3A_18] : memref<323584xi32, #tpu.memory_space<hbm>> -> memref<64xi32, #tpu.memory_space<hbm>>
        %dma_wait3A_52 = tpu.memref_slice %arg4[%mul3A_18] : memref<323584xi32, #tpu.memory_space<hbm>> -> memref<64xi32, #tpu.memory_space<hbm>>
        tpu.wait_dma2 semaphore(%run_scoped3A_48 : memref<!tpu.dma_semaphore, #tpu.memory_space<semaphore_mem>>) src(%dma_wait3A_52 : memref<64xi32, #tpu.memory_space<hbm>>) dst(%arg9 : memref<64xi32, #tpu.memory_space<vmem>>)
        tpu.yield
      }) : () -> ()
      %add3A_19 = arith.constant 1 : i32
      %add3A_20 = arith.addi %mul3A_5, %add3A_19 : i32
      %mul3A_21 = arith.constant 64 : i32
      %mul3A_22 = arith.muli %add3A_20, %mul3A_21 : i32
      "tpu.region"() ({
        %run_scoped3A_48 = tpu.sem_alloc : memref<!tpu.dma_semaphore, #tpu.memory_space<semaphore_mem>>
        %dma_start3A_49 = tpu.memref_slice %arg3[%mul3A_22] : memref<323584xi32, #tpu.memory_space<hbm>> -> memref<64xi32, #tpu.memory_space<hbm>>
        %dma_start3A_50 = tpu.memref_slice %arg3[%mul3A_22] : memref<323584xi32, #tpu.memory_space<hbm>> -> memref<64xi32, #tpu.memory_space<hbm>>
        tpu.enqueue_dma source(%dma_start3A_50 : memref<64xi32, #tpu.memory_space<hbm>>) target(%arg10 : memref<64xi32, #tpu.memory_space<vmem>>) target_semaphore(%run_scoped3A_48 : memref<!tpu.dma_semaphore, #tpu.memory_space<semaphore_mem>>)
        %dma_wait3A_51 = tpu.memref_slice %arg3[%mul3A_22] : memref<323584xi32, #tpu.memory_space<hbm>> -> memref<64xi32, #tpu.memory_space<hbm>>
        %dma_wait3A_52 = tpu.memref_slice %arg3[%mul3A_22] : memref<323584xi32, #tpu.memory_space<hbm>> -> memref<64xi32, #tpu.memory_space<hbm>>
        tpu.wait_dma2 semaphore(%run_scoped3A_48 : memref<!tpu.dma_semaphore, #tpu.memory_space<semaphore_mem>>) src(%dma_wait3A_52 : memref<64xi32, #tpu.memory_space<hbm>>) dst(%arg10 : memref<64xi32, #tpu.memory_space<vmem>>)
        tpu.yield
      }) : () -> ()
      %add3A_23 = arith.constant 1 : i32
      %add3A_24 = arith.addi %mul3A_5, %add3A_23 : i32
      %mul3A_25 = arith.constant 64 : i32
      %mul3A_26 = arith.muli %add3A_24, %mul3A_25 : i32
      "tpu.region"() ({
        %run_scoped3A_48 = tpu.sem_alloc : memref<!tpu.dma_semaphore, #tpu.memory_space<semaphore_mem>>
        %dma_start3A_49 = tpu.memref_slice %arg4[%mul3A_26] : memref<323584xi32, #tpu.memory_space<hbm>> -> memref<64xi32, #tpu.memory_space<hbm>>
        %dma_start3A_50 = tpu.memref_slice %arg4[%mul3A_26] : memref<323584xi32, #tpu.memory_space<hbm>> -> memref<64xi32, #tpu.memory_space<hbm>>
        tpu.enqueue_dma source(%dma_start3A_50 : memref<64xi32, #tpu.memory_space<hbm>>) target(%arg11 : memref<64xi32, #tpu.memory_space<vmem>>) target_semaphore(%run_scoped3A_48 : memref<!tpu.dma_semaphore, #tpu.memory_space<semaphore_mem>>)
        %dma_wait3A_51 = tpu.memref_slice %arg4[%mul3A_26] : memref<323584xi32, #tpu.memory_space<hbm>> -> memref<64xi32, #tpu.memory_space<hbm>>
        %dma_wait3A_52 = tpu.memref_slice %arg4[%mul3A_26] : memref<323584xi32, #tpu.memory_space<hbm>> -> memref<64xi32, #tpu.memory_space<hbm>>
        tpu.wait_dma2 semaphore(%run_scoped3A_48 : memref<!tpu.dma_semaphore, #tpu.memory_space<semaphore_mem>>) src(%dma_wait3A_52 : memref<64xi32, #tpu.memory_space<hbm>>) dst(%arg11 : memref<64xi32, #tpu.memory_space<vmem>>)
        tpu.yield
      }) : () -> ()
      %dma_start3A = arith.constant 0 : i32
      %dma_start3A_27 = arith.constant 0 : i32
      %dma_start3A_28 = tpu.memref_slice %arg2[%dma_start3A, %dma_start3A_27] : memref<10000x128xf32, #tpu.memory_space<hbm>> -> memref<10000x128xf32, #tpu.memory_space<hbm>>
      tpu.enqueue_indirect_dma source(%dma_start3A_28 : memref<10000x128xf32, #tpu.memory_space<hbm>>) target(%arg12 : memref<64x128xf32, #tpu.memory_space<vmem>>) offsets(%arg8 : memref<64xi32, #tpu.memory_space<vmem>>) semaphore(%run_scoped3A : memref<!tpu.dma_semaphore, #tpu.memory_space<semaphore_mem>>)
      %dma_start3A_29 = arith.constant 0 : i32
      %dma_start3A_30 = arith.constant 0 : i32
      %dma_start3A_31 = tpu.memref_slice %arg2[%dma_start3A_29, %dma_start3A_30] : memref<10000x128xf32, #tpu.memory_space<hbm>> -> memref<10000x128xf32, #tpu.memory_space<hbm>>
      tpu.enqueue_indirect_dma source(%dma_start3A_31 : memref<10000x128xf32, #tpu.memory_space<hbm>>) target(%arg13 : memref<64x128xf32, #tpu.memory_space<vmem>>) offsets(%arg10 : memref<64xi32, #tpu.memory_space<vmem>>) semaphore(%run_scoped3A_10 : memref<!tpu.dma_semaphore, #tpu.memory_space<semaphore_mem>>)
      %scan3A = arith.constant 0 : i32
      %scan3A_32 = arith.constant 0 : i32
      %scan3A_33 = arith.constant 78 : i32
      %scan3A_34 = arith.addi %scan3A_32, %scan3A_33 : i32
      %scan3A_35 = arith.constant 1 : i32
      scf.for %scan3A_48 = %scan3A_32 to %scan3A_34 step %scan3A_35  : i32 {
        %mul3A_49 = arith.constant 2 : i32
        %mul3A_50 = arith.muli %mul3A_49, %scan3A_48 : i32
        %dma_wait3A_51 = arith.constant 0 : i32
        %dma_wait3A_52 = arith.constant 0 : i32
        %dma_wait3A_53 = tpu.memref_slice %arg2[%dma_wait3A_51, %dma_wait3A_52] : memref<10000x128xf32, #tpu.memory_space<hbm>> -> memref<64x128xf32, #tpu.memory_space<hbm>>
        %dma_wait3A_54 = arith.constant 0 : i32
        %dma_wait3A_55 = arith.constant 0 : i32
        %dma_wait3A_56 = tpu.memref_slice %arg2[%dma_wait3A_54, %dma_wait3A_55] : memref<10000x128xf32, #tpu.memory_space<hbm>> -> memref<64x128xf32, #tpu.memory_space<hbm>>
        tpu.wait_dma2 semaphore(%run_scoped3A : memref<!tpu.dma_semaphore, #tpu.memory_space<semaphore_mem>>) src(%dma_wait3A_56 : memref<64x128xf32, #tpu.memory_space<hbm>>) dst(%arg12 : memref<64x128xf32, #tpu.memory_space<vmem>>)
        "tpu.region"() ({
          %run_scoped3A_85 = tpu.sem_alloc : memref<!tpu.dma_semaphore, #tpu.memory_space<semaphore_mem>>
          %dma_start3A_86 = arith.constant 0 : i32
          %dma_start3A_87 = arith.constant 0 : i32
          %dma_start3A_88 = tpu.memref_slice %arg7[%dma_start3A_86, %dma_start3A_87] : memref<10008x128xf32, #tpu.memory_space<vmem_shared>> -> memref<10008x128xf32, #tpu.memory_space<vmem_shared>>
          tpu.enqueue_indirect_dma source(%arg12 : memref<64x128xf32, #tpu.memory_space<vmem>>) target(%dma_start3A_88 : memref<10008x128xf32, #tpu.memory_space<vmem_shared>>) offsets(%arg9 : memref<64xi32, #tpu.memory_space<vmem>>) semaphore(%run_scoped3A_85 : memref<!tpu.dma_semaphore, #tpu.memory_space<semaphore_mem>>) {add = true}
          %dma_wait3A_89 = arith.constant 0 : i32
          %dma_wait3A_90 = arith.constant 0 : i32
          %dma_wait3A_91 = tpu.memref_slice %arg7[%dma_wait3A_89, %dma_wait3A_90] : memref<10008x128xf32, #tpu.memory_space<vmem_shared>> -> memref<10008x128xf32, #tpu.memory_space<vmem_shared>>
          tpu.wait_indirect_dma semaphore(%run_scoped3A_85 : memref<!tpu.dma_semaphore, #tpu.memory_space<semaphore_mem>>) src(%arg12 : memref<64x128xf32, #tpu.memory_space<vmem>>) dst(%dma_wait3A_91 : memref<10008x128xf32, #tpu.memory_space<vmem_shared>>)
          tpu.yield
        }) : () -> ()
        %add3A_57 = arith.constant 2 : i32
        %add3A_58 = arith.addi %mul3A_50, %add3A_57 : i32
        %add3A_59 = arith.addi %mul3A_5, %add3A_58 : i32
        %mul3A_60 = arith.constant 64 : i32
        %mul3A_61 = arith.muli %add3A_59, %mul3A_60 : i32
        "tpu.region"() ({
          %run_scoped3A_85 = tpu.sem_alloc : memref<!tpu.dma_semaphore, #tpu.memory_space<semaphore_mem>>
          %dma_start3A_86 = tpu.memref_slice %arg3[%mul3A_61] : memref<323584xi32, #tpu.memory_space<hbm>> -> memref<64xi32, #tpu.memory_space<hbm>>
          %dma_start3A_87 = tpu.memref_slice %arg3[%mul3A_61] : memref<323584xi32, #tpu.memory_space<hbm>> -> memref<64xi32, #tpu.memory_space<hbm>>
          tpu.enqueue_dma source(%dma_start3A_87 : memref<64xi32, #tpu.memory_space<hbm>>) target(%arg8 : memref<64xi32, #tpu.memory_space<vmem>>) target_semaphore(%run_scoped3A_85 : memref<!tpu.dma_semaphore, #tpu.memory_space<semaphore_mem>>)
          %dma_wait3A_88 = tpu.memref_slice %arg3[%mul3A_61] : memref<323584xi32, #tpu.memory_space<hbm>> -> memref<64xi32, #tpu.memory_space<hbm>>
          %dma_wait3A_89 = tpu.memref_slice %arg3[%mul3A_61] : memref<323584xi32, #tpu.memory_space<hbm>> -> memref<64xi32, #tpu.memory_space<hbm>>
          tpu.wait_dma2 semaphore(%run_scoped3A_85 : memref<!tpu.dma_semaphore, #tpu.memory_space<semaphore_mem>>) src(%dma_wait3A_89 : memref<64xi32, #tpu.memory_space<hbm>>) dst(%arg8 : memref<64xi32, #tpu.memory_space<vmem>>)
          tpu.yield
        }) : () -> ()
        %add3A_62 = arith.addi %mul3A_5, %add3A_58 : i32
        %mul3A_63 = arith.constant 64 : i32
        %mul3A_64 = arith.muli %add3A_62, %mul3A_63 : i32
        "tpu.region"() ({
          %run_scoped3A_85 = tpu.sem_alloc : memref<!tpu.dma_semaphore, #tpu.memory_space<semaphore_mem>>
          %dma_start3A_86 = tpu.memref_slice %arg4[%mul3A_64] : memref<323584xi32, #tpu.memory_space<hbm>> -> memref<64xi32, #tpu.memory_space<hbm>>
          %dma_start3A_87 = tpu.memref_slice %arg4[%mul3A_64] : memref<323584xi32, #tpu.memory_space<hbm>> -> memref<64xi32, #tpu.memory_space<hbm>>
          tpu.enqueue_dma source(%dma_start3A_87 : memref<64xi32, #tpu.memory_space<hbm>>) target(%arg9 : memref<64xi32, #tpu.memory_space<vmem>>) target_semaphore(%run_scoped3A_85 : memref<!tpu.dma_semaphore, #tpu.memory_space<semaphore_mem>>)
          %dma_wait3A_88 = tpu.memref_slice %arg4[%mul3A_64] : memref<323584xi32, #tpu.memory_space<hbm>> -> memref<64xi32, #tpu.memory_space<hbm>>
          %dma_wait3A_89 = tpu.memref_slice %arg4[%mul3A_64] : memref<323584xi32, #tpu.memory_space<hbm>> -> memref<64xi32, #tpu.memory_space<hbm>>
          tpu.wait_dma2 semaphore(%run_scoped3A_85 : memref<!tpu.dma_semaphore, #tpu.memory_space<semaphore_mem>>) src(%dma_wait3A_89 : memref<64xi32, #tpu.memory_space<hbm>>) dst(%arg9 : memref<64xi32, #tpu.memory_space<vmem>>)
          tpu.yield
        }) : () -> ()
        %dma_start3A_65 = arith.constant 0 : i32
        %dma_start3A_66 = arith.constant 0 : i32
        %dma_start3A_67 = tpu.memref_slice %arg2[%dma_start3A_65, %dma_start3A_66] : memref<10000x128xf32, #tpu.memory_space<hbm>> -> memref<10000x128xf32, #tpu.memory_space<hbm>>
        tpu.enqueue_indirect_dma source(%dma_start3A_67 : memref<10000x128xf32, #tpu.memory_space<hbm>>) target(%arg12 : memref<64x128xf32, #tpu.memory_space<vmem>>) offsets(%arg8 : memref<64xi32, #tpu.memory_space<vmem>>) semaphore(%run_scoped3A : memref<!tpu.dma_semaphore, #tpu.memory_space<semaphore_mem>>)
        %dma_wait3A_68 = arith.constant 0 : i32
        %dma_wait3A_69 = arith.constant 0 : i32
        %dma_wait3A_70 = tpu.memref_slice %arg2[%dma_wait3A_68, %dma_wait3A_69] : memref<10000x128xf32, #tpu.memory_space<hbm>> -> memref<64x128xf32, #tpu.memory_space<hbm>>
        %dma_wait3A_71 = arith.constant 0 : i32
        %dma_wait3A_72 = arith.constant 0 : i32
        %dma_wait3A_73 = tpu.memref_slice %arg2[%dma_wait3A_71, %dma_wait3A_72] : memref<10000x128xf32, #tpu.memory_space<hbm>> -> memref<64x128xf32, #tpu.memory_space<hbm>>
        tpu.wait_dma2 semaphore(%run_scoped3A_10 : memref<!tpu.dma_semaphore, #tpu.memory_space<semaphore_mem>>) src(%dma_wait3A_73 : memref<64x128xf32, #tpu.memory_space<hbm>>) dst(%arg13 : memref<64x128xf32, #tpu.memory_space<vmem>>)
        "tpu.region"() ({
          %run_scoped3A_85 = tpu.sem_alloc : memref<!tpu.dma_semaphore, #tpu.memory_space<semaphore_mem>>
          %dma_start3A_86 = arith.constant 0 : i32
          %dma_start3A_87 = arith.constant 0 : i32
          %dma_start3A_88 = tpu.memref_slice %arg7[%dma_start3A_86, %dma_start3A_87] : memref<10008x128xf32, #tpu.memory_space<vmem_shared>> -> memref<10008x128xf32, #tpu.memory_space<vmem_shared>>
          tpu.enqueue_indirect_dma source(%arg13 : memref<64x128xf32, #tpu.memory_space<vmem>>) target(%dma_start3A_88 : memref<10008x128xf32, #tpu.memory_space<vmem_shared>>) offsets(%arg11 : memref<64xi32, #tpu.memory_space<vmem>>) semaphore(%run_scoped3A_85 : memref<!tpu.dma_semaphore, #tpu.memory_space<semaphore_mem>>) {add = true}
          %dma_wait3A_89 = arith.constant 0 : i32
          %dma_wait3A_90 = arith.constant 0 : i32
          %dma_wait3A_91 = tpu.memref_slice %arg7[%dma_wait3A_89, %dma_wait3A_90] : memref<10008x128xf32, #tpu.memory_space<vmem_shared>> -> memref<10008x128xf32, #tpu.memory_space<vmem_shared>>
          tpu.wait_indirect_dma semaphore(%run_scoped3A_85 : memref<!tpu.dma_semaphore, #tpu.memory_space<semaphore_mem>>) src(%arg13 : memref<64x128xf32, #tpu.memory_space<vmem>>) dst(%dma_wait3A_91 : memref<10008x128xf32, #tpu.memory_space<vmem_shared>>)
          tpu.yield
        }) : () -> ()
        %add3A_74 = arith.constant 3 : i32
        %add3A_75 = arith.addi %mul3A_50, %add3A_74 : i32
        %add3A_76 = arith.addi %mul3A_5, %add3A_75 : i32
        %mul3A_77 = arith.constant 64 : i32
        %mul3A_78 = arith.muli %add3A_76, %mul3A_77 : i32
        "tpu.region"() ({
          %run_scoped3A_85 = tpu.sem_alloc : memref<!tpu.dma_semaphore, #tpu.memory_space<semaphore_mem>>
          %dma_start3A_86 = tpu.memref_slice %arg3[%mul3A_78] : memref<323584xi32, #tpu.memory_space<hbm>> -> memref<64xi32, #tpu.memory_space<hbm>>
          %dma_start3A_87 = tpu.memref_slice %arg3[%mul3A_78] : memref<323584xi32, #tpu.memory_space<hbm>> -> memref<64xi32, #tpu.memory_space<hbm>>
          tpu.enqueue_dma source(%dma_start3A_87 : memref<64xi32, #tpu.memory_space<hbm>>) target(%arg10 : memref<64xi32, #tpu.memory_space<vmem>>) target_semaphore(%run_scoped3A_85 : memref<!tpu.dma_semaphore, #tpu.memory_space<semaphore_mem>>)
          %dma_wait3A_88 = tpu.memref_slice %arg3[%mul3A_78] : memref<323584xi32, #tpu.memory_space<hbm>> -> memref<64xi32, #tpu.memory_space<hbm>>
          %dma_wait3A_89 = tpu.memref_slice %arg3[%mul3A_78] : memref<323584xi32, #tpu.memory_space<hbm>> -> memref<64xi32, #tpu.memory_space<hbm>>
          tpu.wait_dma2 semaphore(%run_scoped3A_85 : memref<!tpu.dma_semaphore, #tpu.memory_space<semaphore_mem>>) src(%dma_wait3A_89 : memref<64xi32, #tpu.memory_space<hbm>>) dst(%arg10 : memref<64xi32, #tpu.memory_space<vmem>>)
          tpu.yield
        }) : () -> ()
        %add3A_79 = arith.addi %mul3A_5, %add3A_75 : i32
        %mul3A_80 = arith.constant 64 : i32
        %mul3A_81 = arith.muli %add3A_79, %mul3A_80 : i32
        "tpu.region"() ({
          %run_scoped3A_85 = tpu.sem_alloc : memref<!tpu.dma_semaphore, #tpu.memory_space<semaphore_mem>>
          %dma_start3A_86 = tpu.memref_slice %arg4[%mul3A_81] : memref<323584xi32, #tpu.memory_space<hbm>> -> memref<64xi32, #tpu.memory_space<hbm>>
          %dma_start3A_87 = tpu.memref_slice %arg4[%mul3A_81] : memref<323584xi32, #tpu.memory_space<hbm>> -> memref<64xi32, #tpu.memory_space<hbm>>
          tpu.enqueue_dma source(%dma_start3A_87 : memref<64xi32, #tpu.memory_space<hbm>>) target(%arg11 : memref<64xi32, #tpu.memory_space<vmem>>) target_semaphore(%run_scoped3A_85 : memref<!tpu.dma_semaphore, #tpu.memory_space<semaphore_mem>>)
          %dma_wait3A_88 = tpu.memref_slice %arg4[%mul3A_81] : memref<323584xi32, #tpu.memory_space<hbm>> -> memref<64xi32, #tpu.memory_space<hbm>>
          %dma_wait3A_89 = tpu.memref_slice %arg4[%mul3A_81] : memref<323584xi32, #tpu.memory_space<hbm>> -> memref<64xi32, #tpu.memory_space<hbm>>
          tpu.wait_dma2 semaphore(%run_scoped3A_85 : memref<!tpu.dma_semaphore, #tpu.memory_space<semaphore_mem>>) src(%dma_wait3A_89 : memref<64xi32, #tpu.memory_space<hbm>>) dst(%arg11 : memref<64xi32, #tpu.memory_space<vmem>>)
          tpu.yield
        }) : () -> ()
        %dma_start3A_82 = arith.constant 0 : i32
        %dma_start3A_83 = arith.constant 0 : i32
        %dma_start3A_84 = tpu.memref_slice %arg2[%dma_start3A_82, %dma_start3A_83] : memref<10000x128xf32, #tpu.memory_space<hbm>> -> memref<10000x128xf32, #tpu.memory_space<hbm>>
        tpu.enqueue_indirect_dma source(%dma_start3A_84 : memref<10000x128xf32, #tpu.memory_space<hbm>>) target(%arg13 : memref<64x128xf32, #tpu.memory_space<vmem>>) offsets(%arg10 : memref<64xi32, #tpu.memory_space<vmem>>) semaphore(%run_scoped3A_10 : memref<!tpu.dma_semaphore, #tpu.memory_space<semaphore_mem>>)
      }
      %scan3A_36 = arith.constant 78 : i32
      %dma_wait3A = arith.constant 0 : i32
      %dma_wait3A_37 = arith.constant 0 : i32
      %dma_wait3A_38 = tpu.memref_slice %arg2[%dma_wait3A, %dma_wait3A_37] : memref<10000x128xf32, #tpu.memory_space<hbm>> -> memref<64x128xf32, #tpu.memory_space<hbm>>
      %dma_wait3A_39 = arith.constant 0 : i32
      %dma_wait3A_40 = arith.constant 0 : i32
      %dma_wait3A_41 = tpu.memref_slice %arg2[%dma_wait3A_39, %dma_wait3A_40] : memref<10000x128xf32, #tpu.memory_space<hbm>> -> memref<64x128xf32, #tpu.memory_space<hbm>>
      tpu.wait_dma2 semaphore(%run_scoped3A : memref<!tpu.dma_semaphore, #tpu.memory_space<semaphore_mem>>) src(%dma_wait3A_41 : memref<64x128xf32, #tpu.memory_space<hbm>>) dst(%arg12 : memref<64x128xf32, #tpu.memory_space<vmem>>)
      "tpu.region"() ({
        %run_scoped3A_48 = tpu.sem_alloc : memref<!tpu.dma_semaphore, #tpu.memory_space<semaphore_mem>>
        %dma_start3A_49 = arith.constant 0 : i32
        %dma_start3A_50 = arith.constant 0 : i32
        %dma_start3A_51 = tpu.memref_slice %arg7[%dma_start3A_49, %dma_start3A_50] : memref<10008x128xf32, #tpu.memory_space<vmem_shared>> -> memref<10008x128xf32, #tpu.memory_space<vmem_shared>>
        tpu.enqueue_indirect_dma source(%arg12 : memref<64x128xf32, #tpu.memory_space<vmem>>) target(%dma_start3A_51 : memref<10008x128xf32, #tpu.memory_space<vmem_shared>>) offsets(%arg9 : memref<64xi32, #tpu.memory_space<vmem>>) semaphore(%run_scoped3A_48 : memref<!tpu.dma_semaphore, #tpu.memory_space<semaphore_mem>>) {add = true}
        %dma_wait3A_52 = arith.constant 0 : i32
        %dma_wait3A_53 = arith.constant 0 : i32
        %dma_wait3A_54 = tpu.memref_slice %arg7[%dma_wait3A_52, %dma_wait3A_53] : memref<10008x128xf32, #tpu.memory_space<vmem_shared>> -> memref<10008x128xf32, #tpu.memory_space<vmem_shared>>
        tpu.wait_indirect_dma semaphore(%run_scoped3A_48 : memref<!tpu.dma_semaphore, #tpu.memory_space<semaphore_mem>>) src(%arg12 : memref<64x128xf32, #tpu.memory_space<vmem>>) dst(%dma_wait3A_54 : memref<10008x128xf32, #tpu.memory_space<vmem_shared>>)
        tpu.yield
      }) : () -> ()
      %dma_wait3A_42 = arith.constant 0 : i32
      %dma_wait3A_43 = arith.constant 0 : i32
      %dma_wait3A_44 = tpu.memref_slice %arg2[%dma_wait3A_42, %dma_wait3A_43] : memref<10000x128xf32, #tpu.memory_space<hbm>> -> memref<64x128xf32, #tpu.memory_space<hbm>>
      %dma_wait3A_45 = arith.constant 0 : i32
      %dma_wait3A_46 = arith.constant 0 : i32
      %dma_wait3A_47 = tpu.memref_slice %arg2[%dma_wait3A_45, %dma_wait3A_46] : memref<10000x128xf32, #tpu.memory_space<hbm>> -> memref<64x128xf32, #tpu.memory_space<hbm>>
      tpu.wait_dma2 semaphore(%run_scoped3A_10 : memref<!tpu.dma_semaphore, #tpu.memory_space<semaphore_mem>>) src(%dma_wait3A_47 : memref<64x128xf32, #tpu.memory_space<hbm>>) dst(%arg13 : memref<64x128xf32, #tpu.memory_space<vmem>>)
      "tpu.region"() ({
        %run_scoped3A_48 = tpu.sem_alloc : memref<!tpu.dma_semaphore, #tpu.memory_space<semaphore_mem>>
        %dma_start3A_49 = arith.constant 0 : i32
        %dma_start3A_50 = arith.constant 0 : i32
        %dma_start3A_51 = tpu.memref_slice %arg7[%dma_start3A_49, %dma_start3A_50] : memref<10008x128xf32, #tpu.memory_space<vmem_shared>> -> memref<10008x128xf32, #tpu.memory_space<vmem_shared>>
        tpu.enqueue_indirect_dma source(%arg13 : memref<64x128xf32, #tpu.memory_space<vmem>>) target(%dma_start3A_51 : memref<10008x128xf32, #tpu.memory_space<vmem_shared>>) offsets(%arg11 : memref<64xi32, #tpu.memory_space<vmem>>) semaphore(%run_scoped3A_48 : memref<!tpu.dma_semaphore, #tpu.memory_space<semaphore_mem>>) {add = true}
        %dma_wait3A_52 = arith.constant 0 : i32
        %dma_wait3A_53 = arith.constant 0 : i32
        %dma_wait3A_54 = tpu.memref_slice %arg7[%dma_wait3A_52, %dma_wait3A_53] : memref<10008x128xf32, #tpu.memory_space<vmem_shared>> -> memref<10008x128xf32, #tpu.memory_space<vmem_shared>>
        tpu.wait_indirect_dma semaphore(%run_scoped3A_48 : memref<!tpu.dma_semaphore, #tpu.memory_space<semaphore_mem>>) src(%arg13 : memref<64x128xf32, #tpu.memory_space<vmem>>) dst(%dma_wait3A_54 : memref<10008x128xf32, #tpu.memory_space<vmem_shared>>)
        tpu.yield
      }) : () -> ()
      tpu.yield
    }) : () -> ()
    %barrier3A_6 = arith.constant 0 : index
    tpu.barrier barrier_id(%barrier3A_6)
    %mul3A_7 = arith.constant 10000 : i32
    %mul3A_8 = arith.muli %arg0, %mul3A_7 : i32
    %add3A_9 = arith.addi %mul3A_8, %min3A_1 : i32
    "tpu.region"() ({
      %run_scoped3A = tpu.sem_alloc : memref<!tpu.dma_semaphore, #tpu.memory_space<semaphore_mem>>
      %dma_start3A = arith.constant 0 : i32
      %dma_start3A_10 = tpu.memref_slice %arg6[%add3A_9, %dma_start3A] : memref<20000x128xf32, #tpu.memory_space<hbm>> -> memref<632x128xf32, #tpu.memory_space<hbm>>
      %dma_start3A_11 = arith.constant 0 : i32
      %dma_start3A_12 = tpu.memref_slice %arg7[%min3A_1, %dma_start3A_11] : memref<10008x128xf32, #tpu.memory_space<vmem_shared>> -> memref<632x128xf32, #tpu.memory_space<vmem_shared>>
      tpu.enqueue_dma source(%dma_start3A_12 : memref<632x128xf32, #tpu.memory_space<vmem_shared>>) target(%dma_start3A_10 : memref<632x128xf32, #tpu.memory_space<hbm>>) target_semaphore(%run_scoped3A : memref<!tpu.dma_semaphore, #tpu.memory_space<semaphore_mem>>)
      %dma_wait3A = arith.constant 0 : i32
      %dma_wait3A_13 = tpu.memref_slice %arg6[%add3A_9, %dma_wait3A] : memref<20000x128xf32, #tpu.memory_space<hbm>> -> memref<632x128xf32, #tpu.memory_space<hbm>>
      %dma_wait3A_14 = arith.constant 0 : i32
      %dma_wait3A_15 = tpu.memref_slice %arg7[%min3A_1, %dma_wait3A_14] : memref<10008x128xf32, #tpu.memory_space<vmem_shared>> -> memref<632x128xf32, #tpu.memory_space<vmem_shared>>
      tpu.wait_dma2 semaphore(%run_scoped3A : memref<!tpu.dma_semaphore, #tpu.memory_space<semaphore_mem>>) src(%dma_wait3A_15 : memref<632x128xf32, #tpu.memory_space<vmem_shared>>) dst(%dma_wait3A_13 : memref<632x128xf32, #tpu.memory_space<hbm>>)
      tpu.yield
    }) : () -> ()
    return
  }
}

#map = affine_map<(d0, d1) -> (0, 0)>
#map1 = affine_map<(d0, d1) -> (0)>
module attributes {stable_mosaic.version = 14 : i64} {
  func.func @scat_kernel(%arg0: i32, %arg1: i32, %arg2: memref<20000x128xf32, #tpu.memory_space<hbm>>, %arg3: memref<643072xi32, #tpu.memory_space<hbm>>, %arg4: memref<321536xi32, #tpu.memory_space<hbm>>, %arg5: memref<10000x128xf32, #tpu.memory_space<hbm>>, %arg6: memref<20000x128xf32, #tpu.memory_space<hbm>>, %arg7: memref<10008x128xf32, #tpu.memory_space<vmem_shared>>, %arg8: memref<64xi32, #tpu.memory_space<vmem>>, %arg9: memref<64xi32, #tpu.memory_space<vmem>>, %arg10: memref<64xi32, #tpu.memory_space<vmem>>, %arg11: memref<64xi32, #tpu.memory_space<vmem>>, %arg12: memref<64x128xf32, #tpu.memory_space<vmem>>, %arg13: memref<64x128xf32, #tpu.memory_space<vmem>>) attributes {dimension_semantics = [#tpu.dimension_semantics<core_parallel>, #tpu.dimension_semantics<subcore_parallel>], iteration_bounds = array<i64: 2, 16>, scalar_prefetch = 0 : i64, scratch_operands = 7 : i64, tpu.core_type = #tpu.core_type<sc_vector_subcore>, window_params = [{transform_indices = #map}, {transform_indices = #map1}, {transform_indices = #map1}, {transform_indices = #map}, {transform_indices = #map}]} {
    %mul3A = arith.constant 632 : i32
    %mul3A_0 = arith.muli %arg1, %mul3A : i32
    %min3A = arith.constant 9368 : i32
    %min3A_1 = arith.minsi %mul3A_0, %min3A : i32
    "tpu.region"() ({
      %run_scoped3A = tpu.sem_alloc : memref<!tpu.dma_semaphore, #tpu.memory_space<semaphore_mem>>
      %dma_start3A = arith.constant 0 : i32
      %dma_start3A_12 = tpu.memref_slice %arg7[%min3A_1, %dma_start3A] : memref<10008x128xf32, #tpu.memory_space<vmem_shared>> -> memref<632x128xf32, #tpu.memory_space<vmem_shared>>
      %dma_start3A_13 = arith.constant 0 : i32
      %dma_start3A_14 = tpu.memref_slice %arg5[%min3A_1, %dma_start3A_13] : memref<10000x128xf32, #tpu.memory_space<hbm>> -> memref<632x128xf32, #tpu.memory_space<hbm>>
      tpu.enqueue_dma source(%dma_start3A_14 : memref<632x128xf32, #tpu.memory_space<hbm>>) target(%dma_start3A_12 : memref<632x128xf32, #tpu.memory_space<vmem_shared>>) target_semaphore(%run_scoped3A : memref<!tpu.dma_semaphore, #tpu.memory_space<semaphore_mem>>)
      %dma_wait3A = arith.constant 0 : i32
      %dma_wait3A_15 = tpu.memref_slice %arg7[%min3A_1, %dma_wait3A] : memref<10008x128xf32, #tpu.memory_space<vmem_shared>> -> memref<632x128xf32, #tpu.memory_space<vmem_shared>>
      %dma_wait3A_16 = arith.constant 0 : i32
      %dma_wait3A_17 = tpu.memref_slice %arg5[%min3A_1, %dma_wait3A_16] : memref<10000x128xf32, #tpu.memory_space<hbm>> -> memref<632x128xf32, #tpu.memory_space<hbm>>
      tpu.wait_dma2 semaphore(%run_scoped3A : memref<!tpu.dma_semaphore, #tpu.memory_space<semaphore_mem>>) src(%dma_wait3A_17 : memref<632x128xf32, #tpu.memory_space<hbm>>) dst(%dma_wait3A_15 : memref<632x128xf32, #tpu.memory_space<vmem_shared>>)
      tpu.yield
    }) : () -> ()
    %barrier3A = arith.constant 0 : index
    tpu.barrier barrier_id(%barrier3A)
    %mul3A_2 = arith.constant 16 : i32
    %mul3A_3 = arith.muli %arg0, %mul3A_2 : i32
    %add3A = arith.addi %mul3A_3, %arg1 : i32
    %mul3A_4 = arith.constant 314 : i32
    %mul3A_5 = arith.muli %add3A, %mul3A_4 : i32
    %mul3A_6 = arith.constant 314 : i32
    %mul3A_7 = arith.muli %arg1, %mul3A_6 : i32
    "tpu.region"() ({
      %run_scoped3A = tpu.sem_alloc : memref<!tpu.dma_semaphore, #tpu.memory_space<semaphore_mem>>
      %run_scoped3A_12 = tpu.sem_alloc : memref<!tpu.dma_semaphore, #tpu.memory_space<semaphore_mem>>
      %add3A_13 = arith.constant 0 : i32
      %add3A_14 = arith.addi %mul3A_5, %add3A_13 : i32
      %mul3A_15 = arith.constant 64 : i32
      %mul3A_16 = arith.muli %add3A_14, %mul3A_15 : i32
      "tpu.region"() ({
        %run_scoped3A_50 = tpu.sem_alloc : memref<!tpu.dma_semaphore, #tpu.memory_space<semaphore_mem>>
        %dma_start3A_51 = tpu.memref_slice %arg3[%mul3A_16] : memref<643072xi32, #tpu.memory_space<hbm>> -> memref<64xi32, #tpu.memory_space<hbm>>
        %dma_start3A_52 = tpu.memref_slice %arg3[%mul3A_16] : memref<643072xi32, #tpu.memory_space<hbm>> -> memref<64xi32, #tpu.memory_space<hbm>>
        tpu.enqueue_dma source(%dma_start3A_52 : memref<64xi32, #tpu.memory_space<hbm>>) target(%arg8 : memref<64xi32, #tpu.memory_space<vmem>>) target_semaphore(%run_scoped3A_50 : memref<!tpu.dma_semaphore, #tpu.memory_space<semaphore_mem>>)
        %dma_wait3A_53 = tpu.memref_slice %arg3[%mul3A_16] : memref<643072xi32, #tpu.memory_space<hbm>> -> memref<64xi32, #tpu.memory_space<hbm>>
        %dma_wait3A_54 = tpu.memref_slice %arg3[%mul3A_16] : memref<643072xi32, #tpu.memory_space<hbm>> -> memref<64xi32, #tpu.memory_space<hbm>>
        tpu.wait_dma2 semaphore(%run_scoped3A_50 : memref<!tpu.dma_semaphore, #tpu.memory_space<semaphore_mem>>) src(%dma_wait3A_54 : memref<64xi32, #tpu.memory_space<hbm>>) dst(%arg8 : memref<64xi32, #tpu.memory_space<vmem>>)
        tpu.yield
      }) : () -> ()
      %add3A_17 = arith.constant 0 : i32
      %add3A_18 = arith.addi %mul3A_7, %add3A_17 : i32
      %mul3A_19 = arith.constant 64 : i32
      %mul3A_20 = arith.muli %add3A_18, %mul3A_19 : i32
      "tpu.region"() ({
        %run_scoped3A_50 = tpu.sem_alloc : memref<!tpu.dma_semaphore, #tpu.memory_space<semaphore_mem>>
        %dma_start3A_51 = tpu.memref_slice %arg4[%mul3A_20] : memref<321536xi32, #tpu.memory_space<hbm>> -> memref<64xi32, #tpu.memory_space<hbm>>
        %dma_start3A_52 = tpu.memref_slice %arg4[%mul3A_20] : memref<321536xi32, #tpu.memory_space<hbm>> -> memref<64xi32, #tpu.memory_space<hbm>>
        tpu.enqueue_dma source(%dma_start3A_52 : memref<64xi32, #tpu.memory_space<hbm>>) target(%arg9 : memref<64xi32, #tpu.memory_space<vmem>>) target_semaphore(%run_scoped3A_50 : memref<!tpu.dma_semaphore, #tpu.memory_space<semaphore_mem>>)
        %dma_wait3A_53 = tpu.memref_slice %arg4[%mul3A_20] : memref<321536xi32, #tpu.memory_space<hbm>> -> memref<64xi32, #tpu.memory_space<hbm>>
        %dma_wait3A_54 = tpu.memref_slice %arg4[%mul3A_20] : memref<321536xi32, #tpu.memory_space<hbm>> -> memref<64xi32, #tpu.memory_space<hbm>>
        tpu.wait_dma2 semaphore(%run_scoped3A_50 : memref<!tpu.dma_semaphore, #tpu.memory_space<semaphore_mem>>) src(%dma_wait3A_54 : memref<64xi32, #tpu.memory_space<hbm>>) dst(%arg9 : memref<64xi32, #tpu.memory_space<vmem>>)
        tpu.yield
      }) : () -> ()
      %add3A_21 = arith.constant 1 : i32
      %add3A_22 = arith.addi %mul3A_5, %add3A_21 : i32
      %mul3A_23 = arith.constant 64 : i32
      %mul3A_24 = arith.muli %add3A_22, %mul3A_23 : i32
      "tpu.region"() ({
        %run_scoped3A_50 = tpu.sem_alloc : memref<!tpu.dma_semaphore, #tpu.memory_space<semaphore_mem>>
        %dma_start3A_51 = tpu.memref_slice %arg3[%mul3A_24] : memref<643072xi32, #tpu.memory_space<hbm>> -> memref<64xi32, #tpu.memory_space<hbm>>
        %dma_start3A_52 = tpu.memref_slice %arg3[%mul3A_24] : memref<643072xi32, #tpu.memory_space<hbm>> -> memref<64xi32, #tpu.memory_space<hbm>>
        tpu.enqueue_dma source(%dma_start3A_52 : memref<64xi32, #tpu.memory_space<hbm>>) target(%arg10 : memref<64xi32, #tpu.memory_space<vmem>>) target_semaphore(%run_scoped3A_50 : memref<!tpu.dma_semaphore, #tpu.memory_space<semaphore_mem>>)
        %dma_wait3A_53 = tpu.memref_slice %arg3[%mul3A_24] : memref<643072xi32, #tpu.memory_space<hbm>> -> memref<64xi32, #tpu.memory_space<hbm>>
        %dma_wait3A_54 = tpu.memref_slice %arg3[%mul3A_24] : memref<643072xi32, #tpu.memory_space<hbm>> -> memref<64xi32, #tpu.memory_space<hbm>>
        tpu.wait_dma2 semaphore(%run_scoped3A_50 : memref<!tpu.dma_semaphore, #tpu.memory_space<semaphore_mem>>) src(%dma_wait3A_54 : memref<64xi32, #tpu.memory_space<hbm>>) dst(%arg10 : memref<64xi32, #tpu.memory_space<vmem>>)
        tpu.yield
      }) : () -> ()
      %add3A_25 = arith.constant 1 : i32
      %add3A_26 = arith.addi %mul3A_7, %add3A_25 : i32
      %mul3A_27 = arith.constant 64 : i32
      %mul3A_28 = arith.muli %add3A_26, %mul3A_27 : i32
      "tpu.region"() ({
        %run_scoped3A_50 = tpu.sem_alloc : memref<!tpu.dma_semaphore, #tpu.memory_space<semaphore_mem>>
        %dma_start3A_51 = tpu.memref_slice %arg4[%mul3A_28] : memref<321536xi32, #tpu.memory_space<hbm>> -> memref<64xi32, #tpu.memory_space<hbm>>
        %dma_start3A_52 = tpu.memref_slice %arg4[%mul3A_28] : memref<321536xi32, #tpu.memory_space<hbm>> -> memref<64xi32, #tpu.memory_space<hbm>>
        tpu.enqueue_dma source(%dma_start3A_52 : memref<64xi32, #tpu.memory_space<hbm>>) target(%arg11 : memref<64xi32, #tpu.memory_space<vmem>>) target_semaphore(%run_scoped3A_50 : memref<!tpu.dma_semaphore, #tpu.memory_space<semaphore_mem>>)
        %dma_wait3A_53 = tpu.memref_slice %arg4[%mul3A_28] : memref<321536xi32, #tpu.memory_space<hbm>> -> memref<64xi32, #tpu.memory_space<hbm>>
        %dma_wait3A_54 = tpu.memref_slice %arg4[%mul3A_28] : memref<321536xi32, #tpu.memory_space<hbm>> -> memref<64xi32, #tpu.memory_space<hbm>>
        tpu.wait_dma2 semaphore(%run_scoped3A_50 : memref<!tpu.dma_semaphore, #tpu.memory_space<semaphore_mem>>) src(%dma_wait3A_54 : memref<64xi32, #tpu.memory_space<hbm>>) dst(%arg11 : memref<64xi32, #tpu.memory_space<vmem>>)
        tpu.yield
      }) : () -> ()
      %dma_start3A = arith.constant 0 : i32
      %dma_start3A_29 = arith.constant 0 : i32
      %dma_start3A_30 = tpu.memref_slice %arg2[%dma_start3A, %dma_start3A_29] : memref<20000x128xf32, #tpu.memory_space<hbm>> -> memref<20000x128xf32, #tpu.memory_space<hbm>>
      tpu.enqueue_indirect_dma source(%dma_start3A_30 : memref<20000x128xf32, #tpu.memory_space<hbm>>) target(%arg12 : memref<64x128xf32, #tpu.memory_space<vmem>>) offsets(%arg8 : memref<64xi32, #tpu.memory_space<vmem>>) semaphore(%run_scoped3A : memref<!tpu.dma_semaphore, #tpu.memory_space<semaphore_mem>>)
      %dma_start3A_31 = arith.constant 0 : i32
      %dma_start3A_32 = arith.constant 0 : i32
      %dma_start3A_33 = tpu.memref_slice %arg2[%dma_start3A_31, %dma_start3A_32] : memref<20000x128xf32, #tpu.memory_space<hbm>> -> memref<20000x128xf32, #tpu.memory_space<hbm>>
      tpu.enqueue_indirect_dma source(%dma_start3A_33 : memref<20000x128xf32, #tpu.memory_space<hbm>>) target(%arg13 : memref<64x128xf32, #tpu.memory_space<vmem>>) offsets(%arg10 : memref<64xi32, #tpu.memory_space<vmem>>) semaphore(%run_scoped3A_12 : memref<!tpu.dma_semaphore, #tpu.memory_space<semaphore_mem>>)
      %scan3A = arith.constant 0 : i32
      %scan3A_34 = arith.constant 0 : i32
      %scan3A_35 = arith.constant 156 : i32
      %scan3A_36 = arith.addi %scan3A_34, %scan3A_35 : i32
      %scan3A_37 = arith.constant 1 : i32
      scf.for %scan3A_50 = %scan3A_34 to %scan3A_36 step %scan3A_37  : i32 {
        %mul3A_51 = arith.constant 2 : i32
        %mul3A_52 = arith.muli %mul3A_51, %scan3A_50 : i32
        %dma_wait3A_53 = arith.constant 0 : i32
        %dma_wait3A_54 = arith.constant 0 : i32
        %dma_wait3A_55 = tpu.memref_slice %arg2[%dma_wait3A_53, %dma_wait3A_54] : memref<20000x128xf32, #tpu.memory_space<hbm>> -> memref<64x128xf32, #tpu.memory_space<hbm>>
        %dma_wait3A_56 = arith.constant 0 : i32
        %dma_wait3A_57 = arith.constant 0 : i32
        %dma_wait3A_58 = tpu.memref_slice %arg2[%dma_wait3A_56, %dma_wait3A_57] : memref<20000x128xf32, #tpu.memory_space<hbm>> -> memref<64x128xf32, #tpu.memory_space<hbm>>
        tpu.wait_dma2 semaphore(%run_scoped3A : memref<!tpu.dma_semaphore, #tpu.memory_space<semaphore_mem>>) src(%dma_wait3A_58 : memref<64x128xf32, #tpu.memory_space<hbm>>) dst(%arg12 : memref<64x128xf32, #tpu.memory_space<vmem>>)
        "tpu.region"() ({
          %run_scoped3A_87 = tpu.sem_alloc : memref<!tpu.dma_semaphore, #tpu.memory_space<semaphore_mem>>
          %dma_start3A_88 = arith.constant 0 : i32
          %dma_start3A_89 = arith.constant 0 : i32
          %dma_start3A_90 = tpu.memref_slice %arg7[%dma_start3A_88, %dma_start3A_89] : memref<10008x128xf32, #tpu.memory_space<vmem_shared>> -> memref<10008x128xf32, #tpu.memory_space<vmem_shared>>
          tpu.enqueue_indirect_dma source(%arg12 : memref<64x128xf32, #tpu.memory_space<vmem>>) target(%dma_start3A_90 : memref<10008x128xf32, #tpu.memory_space<vmem_shared>>) offsets(%arg9 : memref<64xi32, #tpu.memory_space<vmem>>) semaphore(%run_scoped3A_87 : memref<!tpu.dma_semaphore, #tpu.memory_space<semaphore_mem>>) {add = true}
          %dma_wait3A_91 = arith.constant 0 : i32
          %dma_wait3A_92 = arith.constant 0 : i32
          %dma_wait3A_93 = tpu.memref_slice %arg7[%dma_wait3A_91, %dma_wait3A_92] : memref<10008x128xf32, #tpu.memory_space<vmem_shared>> -> memref<10008x128xf32, #tpu.memory_space<vmem_shared>>
          tpu.wait_indirect_dma semaphore(%run_scoped3A_87 : memref<!tpu.dma_semaphore, #tpu.memory_space<semaphore_mem>>) src(%arg12 : memref<64x128xf32, #tpu.memory_space<vmem>>) dst(%dma_wait3A_93 : memref<10008x128xf32, #tpu.memory_space<vmem_shared>>)
          tpu.yield
        }) : () -> ()
        %add3A_59 = arith.constant 2 : i32
        %add3A_60 = arith.addi %mul3A_52, %add3A_59 : i32
        %add3A_61 = arith.addi %mul3A_5, %add3A_60 : i32
        %mul3A_62 = arith.constant 64 : i32
        %mul3A_63 = arith.muli %add3A_61, %mul3A_62 : i32
        "tpu.region"() ({
          %run_scoped3A_87 = tpu.sem_alloc : memref<!tpu.dma_semaphore, #tpu.memory_space<semaphore_mem>>
          %dma_start3A_88 = tpu.memref_slice %arg3[%mul3A_63] : memref<643072xi32, #tpu.memory_space<hbm>> -> memref<64xi32, #tpu.memory_space<hbm>>
          %dma_start3A_89 = tpu.memref_slice %arg3[%mul3A_63] : memref<643072xi32, #tpu.memory_space<hbm>> -> memref<64xi32, #tpu.memory_space<hbm>>
          tpu.enqueue_dma source(%dma_start3A_89 : memref<64xi32, #tpu.memory_space<hbm>>) target(%arg8 : memref<64xi32, #tpu.memory_space<vmem>>) target_semaphore(%run_scoped3A_87 : memref<!tpu.dma_semaphore, #tpu.memory_space<semaphore_mem>>)
          %dma_wait3A_90 = tpu.memref_slice %arg3[%mul3A_63] : memref<643072xi32, #tpu.memory_space<hbm>> -> memref<64xi32, #tpu.memory_space<hbm>>
          %dma_wait3A_91 = tpu.memref_slice %arg3[%mul3A_63] : memref<643072xi32, #tpu.memory_space<hbm>> -> memref<64xi32, #tpu.memory_space<hbm>>
          tpu.wait_dma2 semaphore(%run_scoped3A_87 : memref<!tpu.dma_semaphore, #tpu.memory_space<semaphore_mem>>) src(%dma_wait3A_91 : memref<64xi32, #tpu.memory_space<hbm>>) dst(%arg8 : memref<64xi32, #tpu.memory_space<vmem>>)
          tpu.yield
        }) : () -> ()
        %add3A_64 = arith.addi %mul3A_7, %add3A_60 : i32
        %mul3A_65 = arith.constant 64 : i32
        %mul3A_66 = arith.muli %add3A_64, %mul3A_65 : i32
        "tpu.region"() ({
          %run_scoped3A_87 = tpu.sem_alloc : memref<!tpu.dma_semaphore, #tpu.memory_space<semaphore_mem>>
          %dma_start3A_88 = tpu.memref_slice %arg4[%mul3A_66] : memref<321536xi32, #tpu.memory_space<hbm>> -> memref<64xi32, #tpu.memory_space<hbm>>
          %dma_start3A_89 = tpu.memref_slice %arg4[%mul3A_66] : memref<321536xi32, #tpu.memory_space<hbm>> -> memref<64xi32, #tpu.memory_space<hbm>>
          tpu.enqueue_dma source(%dma_start3A_89 : memref<64xi32, #tpu.memory_space<hbm>>) target(%arg9 : memref<64xi32, #tpu.memory_space<vmem>>) target_semaphore(%run_scoped3A_87 : memref<!tpu.dma_semaphore, #tpu.memory_space<semaphore_mem>>)
          %dma_wait3A_90 = tpu.memref_slice %arg4[%mul3A_66] : memref<321536xi32, #tpu.memory_space<hbm>> -> memref<64xi32, #tpu.memory_space<hbm>>
          %dma_wait3A_91 = tpu.memref_slice %arg4[%mul3A_66] : memref<321536xi32, #tpu.memory_space<hbm>> -> memref<64xi32, #tpu.memory_space<hbm>>
          tpu.wait_dma2 semaphore(%run_scoped3A_87 : memref<!tpu.dma_semaphore, #tpu.memory_space<semaphore_mem>>) src(%dma_wait3A_91 : memref<64xi32, #tpu.memory_space<hbm>>) dst(%arg9 : memref<64xi32, #tpu.memory_space<vmem>>)
          tpu.yield
        }) : () -> ()
        %dma_start3A_67 = arith.constant 0 : i32
        %dma_start3A_68 = arith.constant 0 : i32
        %dma_start3A_69 = tpu.memref_slice %arg2[%dma_start3A_67, %dma_start3A_68] : memref<20000x128xf32, #tpu.memory_space<hbm>> -> memref<20000x128xf32, #tpu.memory_space<hbm>>
        tpu.enqueue_indirect_dma source(%dma_start3A_69 : memref<20000x128xf32, #tpu.memory_space<hbm>>) target(%arg12 : memref<64x128xf32, #tpu.memory_space<vmem>>) offsets(%arg8 : memref<64xi32, #tpu.memory_space<vmem>>) semaphore(%run_scoped3A : memref<!tpu.dma_semaphore, #tpu.memory_space<semaphore_mem>>)
        %dma_wait3A_70 = arith.constant 0 : i32
        %dma_wait3A_71 = arith.constant 0 : i32
        %dma_wait3A_72 = tpu.memref_slice %arg2[%dma_wait3A_70, %dma_wait3A_71] : memref<20000x128xf32, #tpu.memory_space<hbm>> -> memref<64x128xf32, #tpu.memory_space<hbm>>
        %dma_wait3A_73 = arith.constant 0 : i32
        %dma_wait3A_74 = arith.constant 0 : i32
        %dma_wait3A_75 = tpu.memref_slice %arg2[%dma_wait3A_73, %dma_wait3A_74] : memref<20000x128xf32, #tpu.memory_space<hbm>> -> memref<64x128xf32, #tpu.memory_space<hbm>>
        tpu.wait_dma2 semaphore(%run_scoped3A_12 : memref<!tpu.dma_semaphore, #tpu.memory_space<semaphore_mem>>) src(%dma_wait3A_75 : memref<64x128xf32, #tpu.memory_space<hbm>>) dst(%arg13 : memref<64x128xf32, #tpu.memory_space<vmem>>)
        "tpu.region"() ({
          %run_scoped3A_87 = tpu.sem_alloc : memref<!tpu.dma_semaphore, #tpu.memory_space<semaphore_mem>>
          %dma_start3A_88 = arith.constant 0 : i32
          %dma_start3A_89 = arith.constant 0 : i32
          %dma_start3A_90 = tpu.memref_slice %arg7[%dma_start3A_88, %dma_start3A_89] : memref<10008x128xf32, #tpu.memory_space<vmem_shared>> -> memref<10008x128xf32, #tpu.memory_space<vmem_shared>>
          tpu.enqueue_indirect_dma source(%arg13 : memref<64x128xf32, #tpu.memory_space<vmem>>) target(%dma_start3A_90 : memref<10008x128xf32, #tpu.memory_space<vmem_shared>>) offsets(%arg11 : memref<64xi32, #tpu.memory_space<vmem>>) semaphore(%run_scoped3A_87 : memref<!tpu.dma_semaphore, #tpu.memory_space<semaphore_mem>>) {add = true}
          %dma_wait3A_91 = arith.constant 0 : i32
          %dma_wait3A_92 = arith.constant 0 : i32
          %dma_wait3A_93 = tpu.memref_slice %arg7[%dma_wait3A_91, %dma_wait3A_92] : memref<10008x128xf32, #tpu.memory_space<vmem_shared>> -> memref<10008x128xf32, #tpu.memory_space<vmem_shared>>
          tpu.wait_indirect_dma semaphore(%run_scoped3A_87 : memref<!tpu.dma_semaphore, #tpu.memory_space<semaphore_mem>>) src(%arg13 : memref<64x128xf32, #tpu.memory_space<vmem>>) dst(%dma_wait3A_93 : memref<10008x128xf32, #tpu.memory_space<vmem_shared>>)
          tpu.yield
        }) : () -> ()
        %add3A_76 = arith.constant 3 : i32
        %add3A_77 = arith.addi %mul3A_52, %add3A_76 : i32
        %add3A_78 = arith.addi %mul3A_5, %add3A_77 : i32
        %mul3A_79 = arith.constant 64 : i32
        %mul3A_80 = arith.muli %add3A_78, %mul3A_79 : i32
        "tpu.region"() ({
          %run_scoped3A_87 = tpu.sem_alloc : memref<!tpu.dma_semaphore, #tpu.memory_space<semaphore_mem>>
          %dma_start3A_88 = tpu.memref_slice %arg3[%mul3A_80] : memref<643072xi32, #tpu.memory_space<hbm>> -> memref<64xi32, #tpu.memory_space<hbm>>
          %dma_start3A_89 = tpu.memref_slice %arg3[%mul3A_80] : memref<643072xi32, #tpu.memory_space<hbm>> -> memref<64xi32, #tpu.memory_space<hbm>>
          tpu.enqueue_dma source(%dma_start3A_89 : memref<64xi32, #tpu.memory_space<hbm>>) target(%arg10 : memref<64xi32, #tpu.memory_space<vmem>>) target_semaphore(%run_scoped3A_87 : memref<!tpu.dma_semaphore, #tpu.memory_space<semaphore_mem>>)
          %dma_wait3A_90 = tpu.memref_slice %arg3[%mul3A_80] : memref<643072xi32, #tpu.memory_space<hbm>> -> memref<64xi32, #tpu.memory_space<hbm>>
          %dma_wait3A_91 = tpu.memref_slice %arg3[%mul3A_80] : memref<643072xi32, #tpu.memory_space<hbm>> -> memref<64xi32, #tpu.memory_space<hbm>>
          tpu.wait_dma2 semaphore(%run_scoped3A_87 : memref<!tpu.dma_semaphore, #tpu.memory_space<semaphore_mem>>) src(%dma_wait3A_91 : memref<64xi32, #tpu.memory_space<hbm>>) dst(%arg10 : memref<64xi32, #tpu.memory_space<vmem>>)
          tpu.yield
        }) : () -> ()
        %add3A_81 = arith.addi %mul3A_7, %add3A_77 : i32
        %mul3A_82 = arith.constant 64 : i32
        %mul3A_83 = arith.muli %add3A_81, %mul3A_82 : i32
        "tpu.region"() ({
          %run_scoped3A_87 = tpu.sem_alloc : memref<!tpu.dma_semaphore, #tpu.memory_space<semaphore_mem>>
          %dma_start3A_88 = tpu.memref_slice %arg4[%mul3A_83] : memref<321536xi32, #tpu.memory_space<hbm>> -> memref<64xi32, #tpu.memory_space<hbm>>
          %dma_start3A_89 = tpu.memref_slice %arg4[%mul3A_83] : memref<321536xi32, #tpu.memory_space<hbm>> -> memref<64xi32, #tpu.memory_space<hbm>>
          tpu.enqueue_dma source(%dma_start3A_89 : memref<64xi32, #tpu.memory_space<hbm>>) target(%arg11 : memref<64xi32, #tpu.memory_space<vmem>>) target_semaphore(%run_scoped3A_87 : memref<!tpu.dma_semaphore, #tpu.memory_space<semaphore_mem>>)
          %dma_wait3A_90 = tpu.memref_slice %arg4[%mul3A_83] : memref<321536xi32, #tpu.memory_space<hbm>> -> memref<64xi32, #tpu.memory_space<hbm>>
          %dma_wait3A_91 = tpu.memref_slice %arg4[%mul3A_83] : memref<321536xi32, #tpu.memory_space<hbm>> -> memref<64xi32, #tpu.memory_space<hbm>>
          tpu.wait_dma2 semaphore(%run_scoped3A_87 : memref<!tpu.dma_semaphore, #tpu.memory_space<semaphore_mem>>) src(%dma_wait3A_91 : memref<64xi32, #tpu.memory_space<hbm>>) dst(%arg11 : memref<64xi32, #tpu.memory_space<vmem>>)
          tpu.yield
        }) : () -> ()
        %dma_start3A_84 = arith.constant 0 : i32
        %dma_start3A_85 = arith.constant 0 : i32
        %dma_start3A_86 = tpu.memref_slice %arg2[%dma_start3A_84, %dma_start3A_85] : memref<20000x128xf32, #tpu.memory_space<hbm>> -> memref<20000x128xf32, #tpu.memory_space<hbm>>
        tpu.enqueue_indirect_dma source(%dma_start3A_86 : memref<20000x128xf32, #tpu.memory_space<hbm>>) target(%arg13 : memref<64x128xf32, #tpu.memory_space<vmem>>) offsets(%arg10 : memref<64xi32, #tpu.memory_space<vmem>>) semaphore(%run_scoped3A_12 : memref<!tpu.dma_semaphore, #tpu.memory_space<semaphore_mem>>)
      }
      %scan3A_38 = arith.constant 156 : i32
      %dma_wait3A = arith.constant 0 : i32
      %dma_wait3A_39 = arith.constant 0 : i32
      %dma_wait3A_40 = tpu.memref_slice %arg2[%dma_wait3A, %dma_wait3A_39] : memref<20000x128xf32, #tpu.memory_space<hbm>> -> memref<64x128xf32, #tpu.memory_space<hbm>>
      %dma_wait3A_41 = arith.constant 0 : i32
      %dma_wait3A_42 = arith.constant 0 : i32
      %dma_wait3A_43 = tpu.memref_slice %arg2[%dma_wait3A_41, %dma_wait3A_42] : memref<20000x128xf32, #tpu.memory_space<hbm>> -> memref<64x128xf32, #tpu.memory_space<hbm>>
      tpu.wait_dma2 semaphore(%run_scoped3A : memref<!tpu.dma_semaphore, #tpu.memory_space<semaphore_mem>>) src(%dma_wait3A_43 : memref<64x128xf32, #tpu.memory_space<hbm>>) dst(%arg12 : memref<64x128xf32, #tpu.memory_space<vmem>>)
      "tpu.region"() ({
        %run_scoped3A_50 = tpu.sem_alloc : memref<!tpu.dma_semaphore, #tpu.memory_space<semaphore_mem>>
        %dma_start3A_51 = arith.constant 0 : i32
        %dma_start3A_52 = arith.constant 0 : i32
        %dma_start3A_53 = tpu.memref_slice %arg7[%dma_start3A_51, %dma_start3A_52] : memref<10008x128xf32, #tpu.memory_space<vmem_shared>> -> memref<10008x128xf32, #tpu.memory_space<vmem_shared>>
        tpu.enqueue_indirect_dma source(%arg12 : memref<64x128xf32, #tpu.memory_space<vmem>>) target(%dma_start3A_53 : memref<10008x128xf32, #tpu.memory_space<vmem_shared>>) offsets(%arg9 : memref<64xi32, #tpu.memory_space<vmem>>) semaphore(%run_scoped3A_50 : memref<!tpu.dma_semaphore, #tpu.memory_space<semaphore_mem>>) {add = true}
        %dma_wait3A_54 = arith.constant 0 : i32
        %dma_wait3A_55 = arith.constant 0 : i32
        %dma_wait3A_56 = tpu.memref_slice %arg7[%dma_wait3A_54, %dma_wait3A_55] : memref<10008x128xf32, #tpu.memory_space<vmem_shared>> -> memref<10008x128xf32, #tpu.memory_space<vmem_shared>>
        tpu.wait_indirect_dma semaphore(%run_scoped3A_50 : memref<!tpu.dma_semaphore, #tpu.memory_space<semaphore_mem>>) src(%arg12 : memref<64x128xf32, #tpu.memory_space<vmem>>) dst(%dma_wait3A_56 : memref<10008x128xf32, #tpu.memory_space<vmem_shared>>)
        tpu.yield
      }) : () -> ()
      %dma_wait3A_44 = arith.constant 0 : i32
      %dma_wait3A_45 = arith.constant 0 : i32
      %dma_wait3A_46 = tpu.memref_slice %arg2[%dma_wait3A_44, %dma_wait3A_45] : memref<20000x128xf32, #tpu.memory_space<hbm>> -> memref<64x128xf32, #tpu.memory_space<hbm>>
      %dma_wait3A_47 = arith.constant 0 : i32
      %dma_wait3A_48 = arith.constant 0 : i32
      %dma_wait3A_49 = tpu.memref_slice %arg2[%dma_wait3A_47, %dma_wait3A_48] : memref<20000x128xf32, #tpu.memory_space<hbm>> -> memref<64x128xf32, #tpu.memory_space<hbm>>
      tpu.wait_dma2 semaphore(%run_scoped3A_12 : memref<!tpu.dma_semaphore, #tpu.memory_space<semaphore_mem>>) src(%dma_wait3A_49 : memref<64x128xf32, #tpu.memory_space<hbm>>) dst(%arg13 : memref<64x128xf32, #tpu.memory_space<vmem>>)
      "tpu.region"() ({
        %run_scoped3A_50 = tpu.sem_alloc : memref<!tpu.dma_semaphore, #tpu.memory_space<semaphore_mem>>
        %dma_start3A_51 = arith.constant 0 : i32
        %dma_start3A_52 = arith.constant 0 : i32
        %dma_start3A_53 = tpu.memref_slice %arg7[%dma_start3A_51, %dma_start3A_52] : memref<10008x128xf32, #tpu.memory_space<vmem_shared>> -> memref<10008x128xf32, #tpu.memory_space<vmem_shared>>
        tpu.enqueue_indirect_dma source(%arg13 : memref<64x128xf32, #tpu.memory_space<vmem>>) target(%dma_start3A_53 : memref<10008x128xf32, #tpu.memory_space<vmem_shared>>) offsets(%arg11 : memref<64xi32, #tpu.memory_space<vmem>>) semaphore(%run_scoped3A_50 : memref<!tpu.dma_semaphore, #tpu.memory_space<semaphore_mem>>) {add = true}
        %dma_wait3A_54 = arith.constant 0 : i32
        %dma_wait3A_55 = arith.constant 0 : i32
        %dma_wait3A_56 = tpu.memref_slice %arg7[%dma_wait3A_54, %dma_wait3A_55] : memref<10008x128xf32, #tpu.memory_space<vmem_shared>> -> memref<10008x128xf32, #tpu.memory_space<vmem_shared>>
        tpu.wait_indirect_dma semaphore(%run_scoped3A_50 : memref<!tpu.dma_semaphore, #tpu.memory_space<semaphore_mem>>) src(%arg13 : memref<64x128xf32, #tpu.memory_space<vmem>>) dst(%dma_wait3A_56 : memref<10008x128xf32, #tpu.memory_space<vmem_shared>>)
        tpu.yield
      }) : () -> ()
      tpu.yield
    }) : () -> ()
    %barrier3A_8 = arith.constant 0 : index
    tpu.barrier barrier_id(%barrier3A_8)
    %mul3A_9 = arith.constant 10000 : i32
    %mul3A_10 = arith.muli %arg0, %mul3A_9 : i32
    %add3A_11 = arith.addi %mul3A_10, %min3A_1 : i32
    "tpu.region"() ({
      %run_scoped3A = tpu.sem_alloc : memref<!tpu.dma_semaphore, #tpu.memory_space<semaphore_mem>>
      %dma_start3A = arith.constant 0 : i32
      %dma_start3A_12 = tpu.memref_slice %arg6[%add3A_11, %dma_start3A] : memref<20000x128xf32, #tpu.memory_space<hbm>> -> memref<632x128xf32, #tpu.memory_space<hbm>>
      %dma_start3A_13 = arith.constant 0 : i32
      %dma_start3A_14 = tpu.memref_slice %arg7[%min3A_1, %dma_start3A_13] : memref<10008x128xf32, #tpu.memory_space<vmem_shared>> -> memref<632x128xf32, #tpu.memory_space<vmem_shared>>
      tpu.enqueue_dma source(%dma_start3A_14 : memref<632x128xf32, #tpu.memory_space<vmem_shared>>) target(%dma_start3A_12 : memref<632x128xf32, #tpu.memory_space<hbm>>) target_semaphore(%run_scoped3A : memref<!tpu.dma_semaphore, #tpu.memory_space<semaphore_mem>>)
      %dma_wait3A = arith.constant 0 : i32
      %dma_wait3A_15 = tpu.memref_slice %arg6[%add3A_11, %dma_wait3A] : memref<20000x128xf32, #tpu.memory_space<hbm>> -> memref<632x128xf32, #tpu.memory_space<hbm>>
      %dma_wait3A_16 = arith.constant 0 : i32
      %dma_wait3A_17 = tpu.memref_slice %arg7[%min3A_1, %dma_wait3A_16] : memref<10008x128xf32, #tpu.memory_space<vmem_shared>> -> memref<632x128xf32, #tpu.memory_space<vmem_shared>>
      tpu.wait_dma2 semaphore(%run_scoped3A : memref<!tpu.dma_semaphore, #tpu.memory_space<semaphore_mem>>) src(%dma_wait3A_17 : memref<632x128xf32, #tpu.memory_space<vmem_shared>>) dst(%dma_wait3A_15 : memref<632x128xf32, #tpu.memory_space<hbm>>)
      tpu.yield
    }) : () -> ()
    return
  }
}

module attributes {stable_mosaic.version = 14 : i64} {
  func.func @kern(%arg0: i32, %arg1: i32, %arg2: memref<2000x128xf32, #tpu.memory_space<vmem>>, %arg3: memref<128x128xf32, #tpu.memory_space<vmem>>, %arg4: memref<2000x128xf32, #tpu.memory_space<vmem>>, %arg5: memref<2000x128xf32, #tpu.memory_space<vmem>>, %arg6: memref<2000x128xf32, #tpu.memory_space<vmem>>) attributes {dimension_semantics = [#tpu.dimension_semantics<arbitrary>, #tpu.dimension_semantics<arbitrary>], iteration_bounds = array<i64: 2, 5>, scalar_prefetch = 0 : i64, scratch_operands = 0 : i64, tpu.core_type = #tpu.core_type<tc>, window_params = [{transform_indices = @transform_0, window_bounds = array<i64: 2000, 128>}, {transform_indices = @transform_1, window_bounds = array<i64: 128, 128>}, {transform_indices = @transform_2, window_bounds = array<i64: 2000, 128>}, {transform_indices = @transform_3, window_bounds = array<i64: 2000, 128>}, {transform_indices = @transform_4, window_bounds = array<i64: 2000, 128>}]} {
    %get3A = arith.constant 0 : index
    %get3A_0 = arith.constant 0 : index
    %get3A_1 = vector.load %arg4[%get3A, %get3A_0] : memref<2000x128xf32, #tpu.memory_space<vmem>>, vector<2000x128xf32>
    %get3A_2 = arith.constant 0 : index
    %get3A_3 = arith.constant 0 : index
    %get3A_4 = vector.load %arg5[%get3A_2, %get3A_3] : memref<2000x128xf32, #tpu.memory_space<vmem>>, vector<2000x128xf32>
    %reduce_sum3A = arith.constant dense<0.000000e+00> : vector<2000xf32>
    %reduce_sum3A_5 = vector.multi_reduction <add>, %get3A_1, %reduce_sum3A [1] : vector<2000x128xf32> to vector<2000xf32>
    %broadcast_in_dim3A = vector.shape_cast %reduce_sum3A_5 : vector<2000xf32> to vector<2000x1xf32>
    %reduce_sum3A_6 = arith.constant dense<0.000000e+00> : vector<2000xf32>
    %reduce_sum3A_7 = vector.multi_reduction <add>, %get3A_4, %reduce_sum3A_6 [1] : vector<2000x128xf32> to vector<2000xf32>
    %broadcast_in_dim3A_8 = vector.shape_cast %reduce_sum3A_7 : vector<2000xf32> to vector<2000x1xf32>
    %add3A = arith.addf %broadcast_in_dim3A, %broadcast_in_dim3A_8 : vector<2000x1xf32>
    %mul3A = arith.constant 7.812500e-03 : f32
    %mul3A_9 = vector.broadcast %mul3A : f32 to vector<2000x1xf32>
    %mul3A_10 = arith.mulf %add3A, %mul3A_9 : vector<2000x1xf32>
    %add3A_11 = arith.constant 1.000000e+00 : f32
    %add3A_12 = vector.broadcast %add3A_11 : f32 to vector<2000x1xf32>
    %add3A_13 = arith.addf %mul3A_10, %add3A_12 : vector<2000x1xf32>
    %rsqrt3A = math.rsqrt %add3A_13 : vector<2000x1xf32>
    %get3A_14 = arith.constant 0 : index
    %get3A_15 = arith.constant 0 : index
    %get3A_16 = vector.load %arg2[%get3A_14, %get3A_15] : memref<2000x128xf32, #tpu.memory_space<vmem>>, vector<2000x128xf32>
    %mul3A_17 = vector.broadcast %rsqrt3A : vector<2000x1xf32> to vector<2000x128xf32>
    %mul3A_18 = arith.mulf %get3A_16, %mul3A_17 : vector<2000x128xf32>
    %get3A_19 = arith.constant 0 : index
    %get3A_20 = arith.constant 0 : index
    %get3A_21 = vector.load %arg3[%get3A_19, %get3A_20] : memref<128x128xf32, #tpu.memory_space<vmem>>, vector<128x128xf32>
    %dot_general3A = arith.constant dense<0.000000e+00> : vector<2000x128xf32>
    %dot_general3A_22 = tpu.matmul %mul3A_18, %get3A_21, %dot_general3A {dimension_numbers = #tpu.dot_dimension_numbers<[1], [0], [0], [1], [0, 0, 1, 1], [], []>, transpose_lhs_hint = false} : vector<2000x128xf32>, vector<128x128xf32>, vector<2000x128xf32> -> vector<2000x128xf32>
    %swap3A = arith.constant 0 : index
    %swap3A_23 = arith.constant 0 : index
    %swap3A_24 = vector.load %arg6[%swap3A, %swap3A_23] : memref<2000x128xf32, #tpu.memory_space<vmem>>, vector<2000x128xf32>
    tpu.vector_store %arg6[%swap3A, %swap3A_23], %dot_general3A_22 {strides = array<i32>} : memref<2000x128xf32, #tpu.memory_space<vmem>>, vector<2000x128xf32>,
    return
  }
  func.func @transform_0(%arg0: i32, %arg1: i32) -> (i32, i32) {
    %c0_i32 = arith.constant 0 : i32
    %c0_i32_0 = arith.constant 0 : i32
    return %arg1, %c0_i32 : i32, i32
  }
  func.func @transform_1(%arg0: i32, %arg1: i32) -> (i32, i32) {
    %c0_i32 = arith.constant 0 : i32
    %c0_i32_0 = arith.constant 0 : i32
    return %c0_i32, %arg0 : i32, i32
  }
  func.func @transform_2(%arg0: i32, %arg1: i32) -> (i32, i32) {
    %c0_i32 = arith.constant 0 : i32
    %c0_i32_0 = arith.constant 0 : i32
    return %arg1, %c0_i32 : i32, i32
  }
  func.func @transform_3(%arg0: i32, %arg1: i32) -> (i32, i32) {
    %add3A = arith.constant 5 : i32
    %add3A_0 = arith.addi %add3A, %arg1 : i32
    %c0_i32 = arith.constant 0 : i32
    %c0_i32_1 = arith.constant 0 : i32
    return %add3A_0, %c0_i32 : i32, i32
  }
  func.func @transform_4(%arg0: i32, %arg1: i32) -> (i32, i32) {
    %mul3A = arith.constant 5 : i32
    %mul3A_0 = arith.muli %arg0, %mul3A : i32
    %add3A = arith.addi %mul3A_0, %arg1 : i32
    %c0_i32 = arith.constant 0 : i32
    %c0_i32_1 = arith.constant 0 : i32
    return %add3A, %c0_i32 : i32, i32
  }
}

module attributes {stable_mosaic.version = 14 : i64} {
  func.func @kern(%arg0: i32, %arg1: memref<2000x128xf32, #tpu.memory_space<vmem>>, %arg2: memref<2000x128xf32, #tpu.memory_space<vmem>>, %arg3: memref<2000x128xf32, #tpu.memory_space<vmem>>, %arg4: memref<2000x128xf32, #tpu.memory_space<vmem>>, %arg5: memref<2000x128xf32, #tpu.memory_space<vmem>>, %arg6: memref<2000x128xf32, #tpu.memory_space<vmem>>, %arg7: memref<1x128xf32, #tpu.memory_space<vmem>>, %arg8: memref<1x128xf32, #tpu.memory_space<vmem>>, %arg9: memref<256x128xf32, #tpu.memory_space<vmem>>, %arg10: memref<2000x128xf32, #tpu.memory_space<vmem>>) attributes {dimension_semantics = [#tpu.dimension_semantics<arbitrary>], iteration_bounds = array<i64: 5>, scalar_prefetch = 0 : i64, scratch_operands = 0 : i64, tpu.core_type = #tpu.core_type<tc>, window_params = [{transform_indices = @transform_0, window_bounds = array<i64: 2000, 128>}, {transform_indices = @transform_1, window_bounds = array<i64: 2000, 128>}, {transform_indices = @transform_2, window_bounds = array<i64: 2000, 128>}, {transform_indices = @transform_3, window_bounds = array<i64: 2000, 128>}, {transform_indices = @transform_4, window_bounds = array<i64: 2000, 128>}, {transform_indices = @transform_5, window_bounds = array<i64: 2000, 128>}, {pipeline_mode = #tpu.pipeline_mode<synchronous>, transform_indices = @transform_6, window_bounds = array<i64: 1, 128>}, {pipeline_mode = #tpu.pipeline_mode<synchronous>, transform_indices = @transform_7, window_bounds = array<i64: 1, 128>}, {pipeline_mode = #tpu.pipeline_mode<synchronous>, transform_indices = @transform_8, window_bounds = array<i64: 256, 128>}, {transform_indices = @transform_9, window_bounds = array<i64: 2000, 128>}]} {
    %get3A = arith.constant 0 : index
    %get3A_0 = arith.constant 0 : index
    %get3A_1 = vector.load %arg5[%get3A, %get3A_0] : memref<2000x128xf32, #tpu.memory_space<vmem>>, vector<2000x128xf32>
    %get3A_2 = arith.constant 0 : index
    %get3A_3 = arith.constant 0 : index
    %get3A_4 = vector.load %arg6[%get3A_2, %get3A_3] : memref<2000x128xf32, #tpu.memory_space<vmem>>, vector<2000x128xf32>
    %reduce_sum3A = arith.constant dense<0.000000e+00> : vector<2000xf32>
    %reduce_sum3A_5 = vector.multi_reduction <add>, %get3A_1, %reduce_sum3A [1] : vector<2000x128xf32> to vector<2000xf32>
    %broadcast_in_dim3A = vector.shape_cast %reduce_sum3A_5 : vector<2000xf32> to vector<2000x1xf32>
    %reduce_sum3A_6 = arith.constant dense<0.000000e+00> : vector<2000xf32>
    %reduce_sum3A_7 = vector.multi_reduction <add>, %get3A_4, %reduce_sum3A_6 [1] : vector<2000x128xf32> to vector<2000xf32>
    %broadcast_in_dim3A_8 = vector.shape_cast %reduce_sum3A_7 : vector<2000xf32> to vector<2000x1xf32>
    %add3A = arith.addf %broadcast_in_dim3A, %broadcast_in_dim3A_8 : vector<2000x1xf32>
    %mul3A = arith.constant 7.812500e-03 : f32
    %mul3A_9 = vector.broadcast %mul3A : f32 to vector<2000x1xf32>
    %mul3A_10 = arith.mulf %add3A, %mul3A_9 : vector<2000x1xf32>
    %add3A_11 = arith.constant 1.000000e+00 : f32
    %add3A_12 = vector.broadcast %add3A_11 : f32 to vector<2000x1xf32>
    %add3A_13 = arith.addf %mul3A_10, %add3A_12 : vector<2000x1xf32>
    %rsqrt3A = math.rsqrt %add3A_13 : vector<2000x1xf32>
    %get3A_14 = arith.constant 0 : index
    %get3A_15 = arith.constant 0 : index
    %get3A_16 = vector.load %arg1[%get3A_14, %get3A_15] : memref<2000x128xf32, #tpu.memory_space<vmem>>, vector<2000x128xf32>
    %get3A_17 = arith.constant 0 : index
    %get3A_18 = arith.constant 0 : index
    %get3A_19 = vector.load %arg3[%get3A_17, %get3A_18] : memref<2000x128xf32, #tpu.memory_space<vmem>>, vector<2000x128xf32>
    %add3A_20 = arith.addf %get3A_16, %get3A_19 : vector<2000x128xf32>
    %mul3A_21 = vector.broadcast %rsqrt3A : vector<2000x1xf32> to vector<2000x128xf32>
    %mul3A_22 = arith.mulf %mul3A_21, %add3A_20 : vector<2000x128xf32>
    %get3A_23 = arith.constant 0 : index
    %get3A_24 = arith.constant 0 : index
    %get3A_25 = vector.load %arg7[%get3A_23, %get3A_24] : memref<1x128xf32, #tpu.memory_space<vmem>>, vector<1x128xf32>
    %add3A_26 = vector.broadcast %get3A_25 : vector<1x128xf32> to vector<2000x128xf32>
    %add3A_27 = arith.addf %mul3A_22, %add3A_26 : vector<2000x128xf32>
    %max3A = arith.constant 0.000000e+00 : f32
    %max3A_28 = vector.broadcast %max3A : f32 to vector<2000x128xf32>
    %max3A_29 = arith.maximumf %add3A_27, %max3A_28 : vector<2000x128xf32>
    %get3A_30 = arith.constant 0 : index
    %get3A_31 = arith.constant 0 : index
    %get3A_32 = vector.load %arg2[%get3A_30, %get3A_31] : memref<2000x128xf32, #tpu.memory_space<vmem>>, vector<2000x128xf32>
    %get3A_33 = arith.constant 0 : index
    %get3A_34 = arith.constant 0 : index
    %get3A_35 = vector.load %arg4[%get3A_33, %get3A_34] : memref<2000x128xf32, #tpu.memory_space<vmem>>, vector<2000x128xf32>
    %add3A_36 = arith.addf %get3A_32, %get3A_35 : vector<2000x128xf32>
    %mul3A_37 = vector.broadcast %rsqrt3A : vector<2000x1xf32> to vector<2000x128xf32>
    %mul3A_38 = arith.mulf %mul3A_37, %add3A_36 : vector<2000x128xf32>
    %get3A_39 = arith.constant 0 : index
    %get3A_40 = arith.constant 0 : index
    %get3A_41 = vector.load %arg8[%get3A_39, %get3A_40] : memref<1x128xf32, #tpu.memory_space<vmem>>, vector<1x128xf32>
    %add3A_42 = vector.broadcast %get3A_41 : vector<1x128xf32> to vector<2000x128xf32>
    %add3A_43 = arith.addf %mul3A_38, %add3A_42 : vector<2000x128xf32>
    %max3A_44 = arith.constant 0.000000e+00 : f32
    %max3A_45 = vector.broadcast %max3A_44 : f32 to vector<2000x128xf32>
    %max3A_46 = arith.maximumf %add3A_43, %max3A_45 : vector<2000x128xf32>
    %get3A_47 = arith.constant 0 : index
    %get3A_48 = arith.constant 0 : index
    %get3A_49 = vector.load %arg9[%get3A_47, %get3A_48] : memref<256x128xf32, #tpu.memory_space<vmem>>, vector<128x128xf32>
    %dot_general3A = arith.constant dense<0.000000e+00> : vector<2000x128xf32>
    %dot_general3A_50 = tpu.matmul %max3A_29, %get3A_49, %dot_general3A {dimension_numbers = #tpu.dot_dimension_numbers<[1], [0], [0], [1], [0, 0, 1, 1], [], []>, transpose_lhs_hint = false} : vector<2000x128xf32>, vector<128x128xf32>, vector<2000x128xf32> -> vector<2000x128xf32>
    %get3A_51 = arith.constant 128 : index
    %get3A_52 = arith.constant 0 : index
    %get3A_53 = vector.load %arg9[%get3A_51, %get3A_52] : memref<256x128xf32, #tpu.memory_space<vmem>>, vector<128x128xf32>
    %dot_general3A_54 = arith.constant dense<0.000000e+00> : vector<2000x128xf32>
    %dot_general3A_55 = tpu.matmul %max3A_46, %get3A_53, %dot_general3A_54 {dimension_numbers = #tpu.dot_dimension_numbers<[1], [0], [0], [1], [0, 0, 1, 1], [], []>, transpose_lhs_hint = false} : vector<2000x128xf32>, vector<128x128xf32>, vector<2000x128xf32> -> vector<2000x128xf32>
    %add3A_56 = arith.addf %dot_general3A_50, %dot_general3A_55 : vector<2000x128xf32>
    %mul3A_57 = vector.broadcast %rsqrt3A : vector<2000x1xf32> to vector<2000x128xf32>
    %mul3A_58 = arith.mulf %mul3A_57, %add3A_56 : vector<2000x128xf32>
    %swap3A = arith.constant 0 : index
    %swap3A_59 = arith.constant 0 : index
    %swap3A_60 = vector.load %arg10[%swap3A, %swap3A_59] : memref<2000x128xf32, #tpu.memory_space<vmem>>, vector<2000x128xf32>
    tpu.vector_store %arg10[%swap3A, %swap3A_59], %mul3A_58 {strides = array<i32>} : memref<2000x128xf32, #tpu.memory_space<vmem>>, vector<2000x128xf32>,
    return
  }
  func.func @transform_0(%arg0: i32) -> (i32, i32) {
    %c0_i32 = arith.constant 0 : i32
    %c0_i32_0 = arith.constant 0 : i32
    return %arg0, %c0_i32 : i32, i32
  }
  func.func @transform_1(%arg0: i32) -> (i32, i32) {
    %add3A = arith.constant 5 : i32
    %add3A_0 = arith.addi %add3A, %arg0 : i32
    %c0_i32 = arith.constant 0 : i32
    %c0_i32_1 = arith.constant 0 : i32
    return %add3A_0, %c0_i32 : i32, i32
  }
  func.func @transform_2(%arg0: i32) -> (i32, i32) {
    %c0_i32 = arith.constant 0 : i32
    %c0_i32_0 = arith.constant 0 : i32
    return %arg0, %c0_i32 : i32, i32
  }
  func.func @transform_3(%arg0: i32) -> (i32, i32) {
    %add3A = arith.constant 5 : i32
    %add3A_0 = arith.addi %add3A, %arg0 : i32
    %c0_i32 = arith.constant 0 : i32
    %c0_i32_1 = arith.constant 0 : i32
    return %add3A_0, %c0_i32 : i32, i32
  }
  func.func @transform_4(%arg0: i32) -> (i32, i32) {
    %c0_i32 = arith.constant 0 : i32
    %c0_i32_0 = arith.constant 0 : i32
    return %arg0, %c0_i32 : i32, i32
  }
  func.func @transform_5(%arg0: i32) -> (i32, i32) {
    %add3A = arith.constant 5 : i32
    %add3A_0 = arith.addi %add3A, %arg0 : i32
    %c0_i32 = arith.constant 0 : i32
    %c0_i32_1 = arith.constant 0 : i32
    return %add3A_0, %c0_i32 : i32, i32
  }
  func.func @transform_6(%arg0: i32) -> (i32, i32) {
    %c0_i32 = arith.constant 0 : i32
    %c0_i32_0 = arith.constant 0 : i32
    %c0_i32_1 = arith.constant 0 : i32
    return %c0_i32, %c0_i32_0 : i32, i32
  }
  func.func @transform_7(%arg0: i32) -> (i32, i32) {
    %c0_i32 = arith.constant 0 : i32
    %c0_i32_0 = arith.constant 0 : i32
    %c0_i32_1 = arith.constant 0 : i32
    return %c0_i32, %c0_i32_0 : i32, i32
  }
  func.func @transform_8(%arg0: i32) -> (i32, i32) {
    %c0_i32 = arith.constant 0 : i32
    %c0_i32_0 = arith.constant 0 : i32
    %c0_i32_1 = arith.constant 0 : i32
    return %c0_i32, %c0_i32_0 : i32, i32
  }
  func.func @transform_9(%arg0: i32) -> (i32, i32) {
    %c0_i32 = arith.constant 0 : i32
    %c0_i32_0 = arith.constant 0 : i32
    return %arg0, %c0_i32 : i32, i32
  }
}

module attributes {stable_mosaic.version = 14 : i64} {
  func.func @kern(%arg0: i32, %arg1: memref<2000x128xf32, #tpu.memory_space<vmem>>, %arg2: memref<2000x128xf32, #tpu.memory_space<vmem>>, %arg3: memref<2000x128xf32, #tpu.memory_space<vmem>>, %arg4: memref<2000x128xf32, #tpu.memory_space<vmem>>, %arg5: memref<2000x128xf32, #tpu.memory_space<vmem>>, %arg6: memref<1x128xf32, #tpu.memory_space<vmem>>, %arg7: memref<2000x128xf32, #tpu.memory_space<vmem>>) attributes {dimension_semantics = [#tpu.dimension_semantics<arbitrary>], iteration_bounds = array<i64: 5>, scalar_prefetch = 0 : i64, scratch_operands = 0 : i64, tpu.core_type = #tpu.core_type<tc>, window_params = [{transform_indices = @transform_0, window_bounds = array<i64: 2000, 128>}, {transform_indices = @transform_1, window_bounds = array<i64: 2000, 128>}, {transform_indices = @transform_2, window_bounds = array<i64: 2000, 128>}, {transform_indices = @transform_3, window_bounds = array<i64: 2000, 128>}, {transform_indices = @transform_4, window_bounds = array<i64: 2000, 128>}, {pipeline_mode = #tpu.pipeline_mode<synchronous>, transform_indices = @transform_5, window_bounds = array<i64: 1, 128>}, {transform_indices = @transform_6, window_bounds = array<i64: 2000, 128>}]} {
    %get3A = arith.constant 0 : index
    %get3A_0 = arith.constant 0 : index
    %get3A_1 = vector.load %arg4[%get3A, %get3A_0] : memref<2000x128xf32, #tpu.memory_space<vmem>>, vector<2000x128xf32>
    %get3A_2 = arith.constant 0 : index
    %get3A_3 = arith.constant 0 : index
    %get3A_4 = vector.load %arg5[%get3A_2, %get3A_3] : memref<2000x128xf32, #tpu.memory_space<vmem>>, vector<2000x128xf32>
    %reduce_sum3A = arith.constant dense<0.000000e+00> : vector<2000xf32>
    %reduce_sum3A_5 = vector.multi_reduction <add>, %get3A_1, %reduce_sum3A [1] : vector<2000x128xf32> to vector<2000xf32>
    %broadcast_in_dim3A = vector.shape_cast %reduce_sum3A_5 : vector<2000xf32> to vector<2000x1xf32>
    %reduce_sum3A_6 = arith.constant dense<0.000000e+00> : vector<2000xf32>
    %reduce_sum3A_7 = vector.multi_reduction <add>, %get3A_4, %reduce_sum3A_6 [1] : vector<2000x128xf32> to vector<2000xf32>
    %broadcast_in_dim3A_8 = vector.shape_cast %reduce_sum3A_7 : vector<2000xf32> to vector<2000x1xf32>
    %add3A = arith.addf %broadcast_in_dim3A, %broadcast_in_dim3A_8 : vector<2000x1xf32>
    %mul3A = arith.constant 7.812500e-03 : f32
    %mul3A_9 = vector.broadcast %mul3A : f32 to vector<2000x1xf32>
    %mul3A_10 = arith.mulf %add3A, %mul3A_9 : vector<2000x1xf32>
    %add3A_11 = arith.constant 1.000000e+00 : f32
    %add3A_12 = vector.broadcast %add3A_11 : f32 to vector<2000x1xf32>
    %add3A_13 = arith.addf %mul3A_10, %add3A_12 : vector<2000x1xf32>
    %rsqrt3A = math.rsqrt %add3A_13 : vector<2000x1xf32>
    %get3A_14 = arith.constant 0 : index
    %get3A_15 = arith.constant 0 : index
    %get3A_16 = vector.load %arg1[%get3A_14, %get3A_15] : memref<2000x128xf32, #tpu.memory_space<vmem>>, vector<2000x128xf32>
    %get3A_17 = arith.constant 0 : index
    %get3A_18 = arith.constant 0 : index
    %get3A_19 = vector.load %arg2[%get3A_17, %get3A_18] : memref<2000x128xf32, #tpu.memory_space<vmem>>, vector<2000x128xf32>
    %add3A_20 = arith.addf %get3A_16, %get3A_19 : vector<2000x128xf32>
    %get3A_21 = arith.constant 0 : index
    %get3A_22 = arith.constant 0 : index
    %get3A_23 = vector.load %arg3[%get3A_21, %get3A_22] : memref<2000x128xf32, #tpu.memory_space<vmem>>, vector<2000x128xf32>
    %add3A_24 = arith.addf %add3A_20, %get3A_23 : vector<2000x128xf32>
    %mul3A_25 = vector.broadcast %rsqrt3A : vector<2000x1xf32> to vector<2000x128xf32>
    %mul3A_26 = arith.mulf %mul3A_25, %add3A_24 : vector<2000x128xf32>
    %get3A_27 = arith.constant 0 : index
    %get3A_28 = arith.constant 0 : index
    %get3A_29 = vector.load %arg6[%get3A_27, %get3A_28] : memref<1x128xf32, #tpu.memory_space<vmem>>, vector<1x128xf32>
    %add3A_30 = vector.broadcast %get3A_29 : vector<1x128xf32> to vector<2000x128xf32>
    %add3A_31 = arith.addf %mul3A_26, %add3A_30 : vector<2000x128xf32>
    %max3A = arith.constant 0.000000e+00 : f32
    %max3A_32 = vector.broadcast %max3A : f32 to vector<2000x128xf32>
    %max3A_33 = arith.maximumf %add3A_31, %max3A_32 : vector<2000x128xf32>
    %swap3A = arith.constant 0 : index
    %swap3A_34 = arith.constant 0 : index
    %swap3A_35 = vector.load %arg7[%swap3A, %swap3A_34] : memref<2000x128xf32, #tpu.memory_space<vmem>>, vector<2000x128xf32>
    tpu.vector_store %arg7[%swap3A, %swap3A_34], %max3A_33 {strides = array<i32>} : memref<2000x128xf32, #tpu.memory_space<vmem>>, vector<2000x128xf32>,
    return
  }
  func.func @transform_0(%arg0: i32) -> (i32, i32) {
    %c0_i32 = arith.constant 0 : i32
    %c0_i32_0 = arith.constant 0 : i32
    return %arg0, %c0_i32 : i32, i32
  }
  func.func @transform_1(%arg0: i32) -> (i32, i32) {
    %add3A = arith.constant 5 : i32
    %add3A_0 = arith.addi %add3A, %arg0 : i32
    %c0_i32 = arith.constant 0 : i32
    %c0_i32_1 = arith.constant 0 : i32
    return %add3A_0, %c0_i32 : i32, i32
  }
  func.func @transform_2(%arg0: i32) -> (i32, i32) {
    %c0_i32 = arith.constant 0 : i32
    %c0_i32_0 = arith.constant 0 : i32
    return %arg0, %c0_i32 : i32, i32
  }
  func.func @transform_3(%arg0: i32) -> (i32, i32) {
    %c0_i32 = arith.constant 0 : i32
    %c0_i32_0 = arith.constant 0 : i32
    return %arg0, %c0_i32 : i32, i32
  }
  func.func @transform_4(%arg0: i32) -> (i32, i32) {
    %add3A = arith.constant 5 : i32
    %add3A_0 = arith.addi %add3A, %arg0 : i32
    %c0_i32 = arith.constant 0 : i32
    %c0_i32_1 = arith.constant 0 : i32
    return %add3A_0, %c0_i32 : i32, i32
  }
  func.func @transform_5(%arg0: i32) -> (i32, i32) {
    %c0_i32 = arith.constant 0 : i32
    %c0_i32_0 = arith.constant 0 : i32
    %c0_i32_1 = arith.constant 0 : i32
    return %c0_i32, %c0_i32_0 : i32, i32
  }
  func.func @transform_6(%arg0: i32) -> (i32, i32) {
    %c0_i32 = arith.constant 0 : i32
    %c0_i32_0 = arith.constant 0 : i32
    return %arg0, %c0_i32 : i32, i32
  }
}

</mosaic_0001>

<sc_bundles>
// kernel: kernel.11.cloned.1.call-start
scs
__scs_entry_jumppad:
0x0: {  	(pc) =	sbr.rel $0x88, $3  }
0x1: {  	(tag) =	ssettag $0x0;
	lr =	simm.s32 $0x1  }
0x2: {  	[smem:$0x3F9B] =	sst lr;
	_ =	strace $0xD0000000  }
0x3: {  	_ = 	snop  }
0x4: {  	_ = 	snop  }
0x5: {  	_ = 	snop  }
0x6: {  	_ = 	snop  }
0x7: {  	_ = 	snop  }
__scs_overlays_trampoline_lowered:
0x8: {  	[smem:$0x3FAA] =	sst s0  }
0x9: {  	[smem:$0x3FAB] =	sst s1  }
0xa: {  	[smem:$0x3FAC] =	sst s2  }
0xb: {  	[smem:$0x3FAD] =	sst s3  }
0xc: {  	[smem:$0x3FAE] =	sst s4  }
0xd: {  	[smem:$0x3FAF] =	sst s5  }
0xe: {  	[smem:$0x3FB0] =	sst s6  }
0xf: {  	[smem:$0x3FB1] =	sst s7  }
0x10: {  	[smem:$0x3FB2] =	sst s8  }
0x11: {  	[smem:$0x3FB3] =	sst s9;
	s0 =	simm.s32 @!p0 $0x0  }
0x12: {  	s1 =	sld [smem:$0x3F99];
	s0 =	simm.s32 @p0 $0x1  }
0x13: {  	[smem:$0x3FB4] =	sst s0;
	s0 =	simm.s32 @!p1 $0x0  }
0x14: {  	s2 =	sld [smem:$0x3F98];
	s0 =	simm.s32 @p1 $0x1  }
0x15: {  	[smem:$0x3FB5] =	sst s0;
	s0 =	simm.s32 @!p2 $0x0  }
0x16: {  	s3 =	sld [smem:$0x3FDB];
	s0 =	simm.s32 @p2 $0x1  }
0x17: {  	s4 =	simm.s32 $0x1BF5;
	[smem:$0x3FB7] =	sst s0  }
0x18: {  	s0 =	sld [smem:$0x3F9A];
	_ =	swait.ge [sflag:s4], $0x0  }
0x19: {  	s7 =	sld [smem:$0x3F9B]  }
0x1a: {  	s8 =	sadd.s32 $0xFFFFE003, lr  }
0x1b: {  	s9 =	sadd.s32 $0xFFFFFEF7, lr;
	s5 =	simm.s32 $0xFFFFFFFF;
	p2 =	slt.u32 s8, $0xFFFFF086  }
0x1c: {  	p1 =	slt.u32 s9, $0xF7A;
	s5 =	simm.s32 @!p2 $0x0  }
0x1d: {  	s5 =	simm.s32 @p1 $0x1;
	p0 =	seq.s32 s7, s2  }
0x1e: {  	s7 =	smul.u32 @!p0 $0xF7A, s2;
	p2 =	seq.s32 @!p0 s5, $0x0  }
0x1f: {  	s9 =	smul.u32 $0xF7A, s1;
	s8 =	simm.s32 @!p0 $0x1BF5;
	p2 =	por !p2, p0  }
0x20: {  	[sflag:s8] =	ssyncset.s32 @!p0 $0xFFFFF086;
	s6 =	sadd.s32 @!p0 s3, s7;
	s7 =	simm.s32 @!p0 $0x108  }
0x21: {  	s3 =	sadd.s32 s3, s9;
	s6 =	sadd.s32 @!p0 $0x88, s6;
	s7 =	simm.s32 @p2 $0x1082  }
0x22: {  	[simem:s7], [sflag:s8] =	dma.local @!p0 [hbm:s6], $0xF7A  }
0x23: {  	s9 =	sor.u32 $0xD0000000, s2;
	s6 =	simm.s32 $0x108;
	_ =	swait.ge @!p0 [sflag:s8], $0x0  }
0x24: {  	s3 =	sadd.s32 $0x88, s3;
	s6 =	simm.s32 @!p1 $0x1082;
	[sflag:s4] =	ssyncset.s32 $0xFFFFF086  }
0x25: {  	[simem:s6], [sflag:s4] =	dma.local [hbm:s3], $0xF7A  }
0x26: {  	[smem:$0x3F9B] =	sst s1;
	(tag) =	ssettag s2;
	_ =	strace s9  }
0x27: {  	s1 =	sld [smem:$0x3FAB]  }
0x28: {  	s2 =	sld [smem:$0x3FAC]  }
0x29: {  	s4 =	sld [smem:$0x3FAE]  }
0x2a: {  	p0 =	seq.s32 s5, $0x0;
	s5 =	sld [smem:$0x3FAF]  }
0x2b: {  	s6 =	sld [smem:$0x3FB0]  }
0x2c: {  	s7 =	sld [smem:$0x3FB1]  }
0x2d: {  	s3 =	simm.s32 $0x108;
	s8 =	sld [smem:$0x3FB2]  }
0x2e: {  	s3 =	simm.s32 @!p0 $0x1082;
	s9 =	sld [smem:$0x3FB3]  }
0x2f: {  	lr =	sadd.s32 s0, s3;
	s0 =	sld [smem:$0x3FAA]  }
0x30: {  	s3 =	sld [smem:$0x3FAD]  }
0x31: {  	[smem:$0x3FB6] =	sst s10  }
0x32: {  	s10 =	sld [smem:$0x3FB4];
	_ =	sdelay $0x3  }
0x33: {  	p0 =	seq.s32 s10, $0x1;
	s10 =	sld [smem:$0x3FB6];
	_ =	sdelay $0x3  }
0x34: {  	[smem:$0x3FB6] =	sst s10  }
0x35: {  	s10 =	sld [smem:$0x3FB5];
	_ =	sdelay $0x3  }
0x36: {  	p1 =	seq.s32 s10, $0x1;
	s10 =	sld [smem:$0x3FB6];
	_ =	sdelay $0x3  }
0x37: {  	[smem:$0x3FB6] =	sst s10  }
0x38: {  	s10 =	sld [smem:$0x3FB7]  }
0x39: {  	_ = 	snop;
	(pc) =	sbr.ind lr, $3  }
0x3a: {  	_ = 	snop  }
0x3b: {  	_ = 	snop  }
0x3c: {  	p2 =	seq.s32 s10, $0x1;
	s10 =	sld [smem:$0x3FB6]  }
0x3d: {  	_ =	shalt  }
0x3e: {  	_ =	shalt  }
0x3f: {  	_ =	shalt  }
0x40: {  	_ =	shalt  }
0x41: {  	_ =	shalt  }
0x42: {  	_ =	shalt  }
0x43: {  	_ =	shalt  }
0x44: {  	_ =	shalt  }
0x45: {  	_ =	shalt  }
0x46: {  	_ =	shalt  }
0x47: {  	_ =	shalt  }
0x48: {  	_ =	shalt  }
0x49: {  	_ =	shalt  }
0x4a: {  	_ =	shalt  }
0x4b: {  	_ =	shalt  }
0x4c: {  	_ =	shalt  }
0x4d: {  	_ =	shalt  }
0x4e: {  	_ =	shalt  }
0x4f: {  	_ =	shalt  }
0x50: {  	_ =	shalt  }
0x51: {  	_ =	shalt  }
0x52: {  	_ =	shalt  }
0x53: {  	_ =	shalt  }
0x54: {  	_ =	shalt  }
0x55: {  	_ =	shalt  }
0x56: {  	_ =	shalt  }
0x57: {  	_ =	shalt  }
0x58: {  	_ =	shalt  }
0x59: {  	_ =	shalt  }
0x5a: {  	_ =	shalt  }
0x5b: {  	_ =	shalt  }
0x5c: {  	_ =	shalt  }
0x5d: {  	_ =	shalt  }
0x5e: {  	_ =	shalt  }
0x5f: {  	_ =	shalt  }
0x60: {  	_ =	shalt  }
0x61: {  	_ =	shalt  }
0x62: {  	_ =	shalt  }
0x63: {  	_ =	shalt  }
0x64: {  	_ =	shalt  }
0x65: {  	_ =	shalt  }
0x66: {  	_ =	shalt  }
0x67: {  	_ =	shalt  }
0x68: {  	_ =	shalt  }
0x69: {  	_ =	shalt  }
0x6a: {  	_ =	shalt  }
0x6b: {  	_ =	shalt  }
0x6c: {  	_ =	shalt  }
0x6d: {  	_ =	shalt  }
0x6e: {  	_ =	shalt  }
0x6f: {  	_ =	shalt  }
0x70: {  	_ =	shalt  }
0x71: {  	_ =	shalt  }
0x72: {  	_ =	shalt  }
0x73: {  	_ =	shalt  }
0x74: {  	_ =	shalt  }
0x75: {  	_ =	shalt  }
0x76: {  	_ =	shalt  }
0x77: {  	_ =	shalt  }
0x78: {  	_ =	shalt  }
0x79: {  	_ =	shalt  }
0x7a: {  	_ =	shalt  }
0x7b: {  	_ =	shalt  }
0x7c: {  	_ =	shalt  }
0x7d: {  	_ =	shalt  }
0x7e: {  	_ =	shalt  }
0x7f: {  	_ =	shalt  }
0x80: {  	_ =	shalt  }
0x81: {  	_ =	shalt  }
0x82: {  	_ =	shalt  }
0x83: {  	_ =	shalt  }
0x84: {  	_ =	shalt  }
0x85: {  	_ =	shalt  }
0x86: {  	_ =	shalt  }
0x87: {  	_ =	shalt  }
.Lfunc_end0:
.L_simem_size_0:
called_computation.1_lowered:
.L_overlay_start_0:
0x88: {  	s2 =	sld [smem:$0x3FD9]  }
0x89: {  	s3 =	sld [smem:$0x3FFE];
	_ =	sdelay $0x1  }
0x8a: {  	s1 =	srdreg.scid  }
0x8b: {  	s0 =	sand.u32 $0x1, s1  }
0x8c: {  	s17 =	sshll.u32 s0, $0xA;
	s2 =	sadd.s32 s3, s2  }
0x8d: {  	s2 =	sadd.s32 s2, s17  }
0x8e: {  	[smem:$0x3FC2] =	sst s2  }
0x8f: {  	_ = 	snop  }
0x90: {  	s2 =	sld [smem:$0x3FD0];
	(tm) =	ssettm $0x1  }
0x91: {  	s18 =	sld [smem:$0x3FFB];
	_ =	sdelay $0x3  }
0x92: {  	_ =	strace s18  }
0x93: {  	s3 =	sld [smem:$0x3FFC];
	_ =	sdelay $0x3  }
0x94: {  	_ =	strace s3  }
0x95: {  	s3 =	sld [smem:$0x3FFD];
	_ =	sdelay $0x3  }
0x96: {  	_ =	strace s3  }
0x97: {  	_ =	strace $0x8FFFFFFF  }
0x98: {  	s19 =	sld [smem:$0x3FDB];
	_ =	sdelay $0x1  }
0x99: {  	s4 =	simm.s32 $_scs_section_size  }
0x9a: {  	s5 =	simm.s32 $_size__tile_overlayer_lowered;
	s6 =	simm.s32 $_tile_overlayer_lowered  }
0x9b: {  	s22 =	simm.s32 $0x1BFF;
	s21 =	sshll.u32 s6, $0x1;
	s3 =	sadd.s32 s4, s19  }
0x9c: {  	s7 =	simm.s32 $0x0;
	s20 =	sshll.u32 s5, $0x1;
	s5 =	sadd.s32 s21, s3  }
0x9d: {  	[timem:s7], [sflag:s22] =	dma.local [hbm:s5], s20  }
0x9e: {  	_ =	swait.ge [sflag:s22], s20  }
0x9f: {  	s4 =	ssub.s32 $0x0, s20;
	[sflag:s22] =	ssyncset.done $0x0  }
0xa0: {  	[sflag:s22] =	ssyncadd.s32 s4;
	_ =	sdelay $0x1  }
0xa1: {  	s23 =	simm.s32 $0x1B8B  }
0xa2: {  	_ =	swait.ge [sflag:s23], $0x1  }
0xa3: {  	[sflag:s23] =	ssyncset.done $0x0  }
0xa4: {  	s25 =	simm.s32 $0x1B8E;
	s24 =	sld [smem:$0x3FFE];
	[sflag:s23] =	ssyncadd.s32 $0xFFFFFFFF  }
0xa5: {  	s26 =	simm.s32 $execute0_lowered;
	[smem:$0x3FD2] =	sst s25  }
0xa6: {  	s5 =	sshll.u32 s26, $0x1;
	_ =	strace $0x80000049;
	[dreg:$0x1] =	wrdreg $0xFFFFFFFF  }
0xa7: {  	s28 =	simm.s32 $_size_execute0_lowered;
	s3 =	sadd.s32 s3, s5;
	[dreg:$0x0] =	wrdreg $0x0  }
0xa8: {  	s5 =	sshll.u32 s28, $0x1;
	[dreg:$0x2] =	wrdreg s3  }
0xa9: {  	[dreg:$0x3] =	wrdreg s5  }
0xaa: {  	[dreg:$0x4] =	wrdreg $0xC0  }
0xab: {  	_ =	task [dreg:s7], $0x5FFFF  }
0xac: {  	[dreg:$0x1] =	wrdreg $0xFFFFFFFF  }
0xad: {  	[dreg:$0x0] =	wrdreg $0x60  }
0xae: {  	[dreg:$0x2] =	wrdreg s24  }
0xaf: {  	[dreg:$0x3] =	wrdreg s2  }
0xb0: {  	[dreg:$0x4] =	wrdreg $0x0  }
0xb1: {  	[dreg:$0x5] =	wrdreg $0x9  }
0xb2: {  	_ =	task.clear_ibuf [dreg:s7], $0x6FFFF;
	_ =	strace $0x90000049  }
0xb3: {  	s29 =	simm.s32 $0x9;
	_ =	strace $0x8000004B  }
0xb4: {  	_ =	swait.ge [sflag:s29], $0x1  }
0xb5: {  	[sflag:s29] =	ssyncadd.s32 $0xFFFFFFFF  }
0xb6: {  	_ =	strace $0x9000004B  }
0xb7: {  	_ =	sfence  }
0xb8: {  	s30 =	sld [smem:$0x0];
	_ =	sdelay $0x2  }
0xb9: {  	s31 =	sshll.u32 s1, $0xD;
	s1 =	sshrl.u32 s1, $0x2  }
0xba: {  	s3 =	sand.u32 $0x4000, s31;
	s1 =	sadd.s32 s1, s30  }
0xbb: {  	s0 =	sor.u32 s3, s0;
	s1 =	sshll.u32 s1, $0x11  }
0xbc: {  	s0 =	sor.u32 s1, s0  }
0xbd: {  	s0 =	sadd.s32 $0x8F2B, s0  }
0xbe: {  	[sflag:s0] =	ssyncadd.remote.s32 $0x1  }
0xbf: {  	_ =	sfence.sel $0xFFFF  }
0xc0: {  	[dreg:$0x0] =	wrdreg $0xFFFFFFFF;
	(pc) =	sbr.abs _section_cstart, $3  }
0xc1: {  	[dreg:$0x1] =	wrdreg $0xFFFFFFFF  }
0xc2: {  	_ =	task.clear_ibuf [dreg:s7], $0x2FFFF;
	_ =	strace $0x9FFFFFFF  }
0xc3: {  	(tm) =	ssettm $0x7FFFFFFF  }
tec
execute0_lowered:
.L_overlay_start_1:
0x0: {  	(tag) =	ssettag $0x1  }
0x1: {  	s8 =	rddreg [dreg:$0x0]  }
0x2: {  	s5 =	rddreg [dreg:$0x1]  }
0x3: {  	s0 =	stileid.u32;
	s1 =	srdreg.scid  }
0x4: {  	s2 =	rddreg [dreg:$0x2];
	s3 =	simm.s32 $0x0;
	s19 =	simm.s32 $0x13940  }
0x5: {  	s20 =	simm.s32 $0x139C0;
	s21 =	simm.s32 $0x13A40;
	s22 =	simm.s32 $0x40  }
0x6: {  	s23 =	simm.s32 $0x13AC0;
	s24 =	simm.s32 $0x15AC0;
	s25 =	simm.s32 $0x2  }
0x7: {  	s6 =	sand.u32 $0x1, s1;
	s4 =	smul.u32 $0x278, s0;
	s1 =	rddreg [dreg:$0x3]  }
0x8: {  	[smem:$0x7FF] =	sst s3;
	s9 =	smul.u32 $0x9D0, s0;
	s13 =	sadd.s32 $0x64200, s8  }
0x9: {  	s15 =	smul.u32 $0x13A, s0;
	s16 =	sshll.u32 s0, $0x6;
	s30 =	sadd.s32 $0x64208, s8  }
0xa: {  	s7 =	smul.u32 $0x2710, s6;
	_ =	strace $0x8000004A;
	s26 =	ssub.s32 $0x2, s6  }
0xb: {  	s28 =	sshll.u32 s6, $0x4;
	s17 =	smul.u32 $0x13A0, s6;
	s6 =	sor.u32 $0x1C01, s16  }
0xc: {  	s16 =	simm.s32 $0x1;
	s10 =	smin.u32 s4, $0x2498;
	s4 =	sadd.s32 $0x77C00, s8  }
0xd: {  	s11 =	sadd.s32 s9, s8;
	s14 =	sshrl.u32 s26, $0x1;
	s9 =	sor.u32 s0, s28  }
0xe: {  	s7 =	sadd.s32 s7, s10;
	s14 =	ssub.s32 s26, s14;
	s29 =	sshll.u32 s10, $0x7  }
0xf: {  	s9 =	smul.u32 $0x9D0, s9;
	s10 =	sshll.u32 s10, $0x4;
	s31 =	sadd.s32 s15, s17  }
0x10: {  	s17 =	simm.s32 $0x138C0;
	s26 =	simm.s32 $0x0;
	s7 =	sshll.u32 s7, $0x4  }
0x11: {  	s18 =	sadd.s32 s29, s2;
	s5 =	sadd.s32 s5, s10;
	s15 =	sshll.u32 s31, $0x3  }
0x12: {  	s10 =	sadd.s32 $0x5A408, s11;
	s12 =	sadd.s32 s7, s8;
	s7 =	sadd.s32 s13, s9  }
0x13: {  	s8 =	sadd.s32 $0x5A400, s11;
	s9 =	sadd.s32 s9, s30;
	s15 =	sadd.s32 $0x10, s15  }
0x14: {  	s11 =	sadd.s32 $0xC5E00, s12;
	s12 =	smax.u32 s14, $0x1;
	s13 =	sadd.s32 s13, s15  }
0x15: {  	s14 =	sadd.s32 s15, s30;
	s15 =	sshrl.u32 s18, $0x3;
	s18 =	simm.s32 $0x3  }
.LBB2_1:
0x16: {  	[spmem:s15], [sflag:s6] =	dma.local [hbm:s5], $0x2780  }
0x17: {  	_ =	swait.ge [sflag:s16], $0x2780  }
0x18: {  	[sflag:s16] =	ssyncset.done $0x0  }
0x19: {  	[sflag:s16] =	ssyncadd.s32 $0xFFFFD880  }
0x1a: {  	[bflag:$0x0] =	sbarrier.arrive $0xFFFF  }
0x1b: {  	[tilespmem:s17], [sflag:$0x3] =	stream.linear.gather [hbm4b:s7+s3], $0x40, $0x38;
	[tilespmem:$0x17AC0] =	vst v63  }
0x1c: {  	_ =	swait.ge [sflag:s18], $0x40  }
0x1d: {  	[sflag:s18] =	ssyncset.done $0x0  }
0x1e: {  	[sflag:s18] =	ssyncadd.s32 $0xFFFFFFC0  }
0x1f: {  	[tilespmem:s19], [sflag:$0x3] =	stream.linear.gather [hbm4b:s8+s3], $0x40, $0x38;
	[tilespmem:$0x17AC0] =	vst v63  }
0x20: {  	_ =	swait.ge [sflag:s18], $0x40  }
0x21: {  	[sflag:s18] =	ssyncset.done $0x0  }
0x22: {  	[sflag:s18] =	ssyncadd.s32 $0xFFFFFFC0  }
0x23: {  	[tilespmem:s20], [sflag:$0x3] =	stream.linear.gather [hbm4b:s9+s3], $0x40, $0x38;
	[tilespmem:$0x17AC0] =	vst v63  }
0x24: {  	_ =	swait.ge [sflag:s18], $0x40  }
0x25: {  	[sflag:s18] =	ssyncset.done $0x0  }
0x26: {  	[sflag:s18] =	ssyncadd.s32 $0xFFFFFFC0  }
0x27: {  	[tilespmem:s21], [sflag:$0x3] =	stream.linear.gather [hbm4b:s10+s3], $0x40, $0x38;
	[tilespmem:$0x17AC0] =	vst v63  }
0x28: {  	_ =	swait.ge [sflag:s18], $0x40  }
0x29: {  	[sflag:s18] =	ssyncset.done $0x0  }
0x2a: {  	[sflag:s18] =	ssyncadd.s32 $0xFFFFFFC0  }
0x2b: {  	[tilespmem:s23], [sflag:$0x1] =	stream.indirect.gather [hbm4b:s4+s22], $0x80, s17, s22, $0xb8;
	[tilespmem:$0x17AC0] =	vst v63  }
0x2c: {  	_ = 	snop  }
0x2d: {  	[tilespmem:s24], [sflag:$0x2] =	stream.indirect.gather [hbm4b:s4+s22], $0x80, s20, s22, $0xb8;
	[tilespmem:$0x17AC0] =	vst v63  }
0x2e: {  	_ =	swait.ge [sflag:s16], $0x2000  }
0x2f: {  	[sflag:s16] =	ssyncset.done $0x0  }
0x30: {  	[sflag:s16] =	ssyncadd.s32 $0xFFFFE000  }
0x31: {  	[spmem:s2] =	stream.indirect.scatter.add.f32 [tilespmem:s23], [sflag:$0x3], $0x80, s19, s22, $0xb8;
	[tilespmem:$0x17AC0] =	vst v63  }
0x32: {  	_ =	swait.ge [sflag:s18], $0x2000  }
0x33: {  	[sflag:s18] =	ssyncset.done $0x0  }
0x34: {  	s28 =	sadd.s32 $0x0, s13;
	[sflag:s18] =	ssyncadd.s32 $0xFFFFE000  }
0x35: {  	[tilespmem:s17], [sflag:$0x3] =	stream.linear.gather [hbm4b:s28+s3], $0x40, $0x38;
	[tilespmem:$0x17AC0] =	vst v63  }
0x36: {  	_ =	swait.ge [sflag:s18], $0x40  }
0x37: {  	s28 =	sadd.s32 $0x0, s8;
	[sflag:s18] =	ssyncset.done $0x0  }
0x38: {  	s29 =	sadd.s32 $0x10, s28;
	[sflag:s18] =	ssyncadd.s32 $0xFFFFFFC0  }
0x39: {  	[tilespmem:s19], [sflag:$0x3] =	stream.linear.gather [hbm4b:s29+s3], $0x40, $0x38;
	[tilespmem:$0x17AC0] =	vst v63  }
0x3a: {  	_ =	swait.ge [sflag:s18], $0x40  }
0x3b: {  	[sflag:s18] =	ssyncset.done $0x0  }
0x3c: {  	[sflag:s18] =	ssyncadd.s32 $0xFFFFFFC0  }
0x3d: {  	[tilespmem:s23], [sflag:$0x1] =	stream.indirect.gather [hbm4b:s4+s22], $0x80, s17, s22, $0xb8;
	[tilespmem:$0x17AC0] =	vst v63  }
0x3e: {  	_ =	swait.ge [sflag:s25], $0x2000  }
0x3f: {  	[sflag:s25] =	ssyncset.done $0x0  }
0x40: {  	[sflag:s25] =	ssyncadd.s32 $0xFFFFE000  }
0x41: {  	[spmem:s2] =	stream.indirect.scatter.add.f32 [tilespmem:s24], [sflag:$0x3], $0x80, s21, s22, $0xb8;
	[tilespmem:$0x17AC0] =	vst v63  }
0x42: {  	_ =	swait.ge [sflag:s18], $0x2000  }
0x43: {  	[sflag:s18] =	ssyncset.done $0x0  }
0x44: {  	s31 =	sadd.s32 $0x0, s14;
	[sflag:s18] =	ssyncadd.s32 $0xFFFFE000  }
0x45: {  	[tilespmem:s20], [sflag:$0x3] =	stream.linear.gather [hbm4b:s31+s3], $0x40, $0x38;
	[tilespmem:$0x17AC0] =	vst v63  }
0x46: {  	_ =	swait.ge [sflag:s18], $0x40  }
0x47: {  	[sflag:s18] =	ssyncset.done $0x0  }
0x48: {  	s28 =	sadd.s32 $0x18, s28;
	[sflag:s18] =	ssyncadd.s32 $0xFFFFFFC0  }
0x49: {  	[tilespmem:s21], [sflag:$0x3] =	stream.linear.gather [hbm4b:s28+s3], $0x40, $0x38;
	[tilespmem:$0x17AC0] =	vst v63  }
0x4a: {  	_ =	swait.ge [sflag:s18], $0x40  }
0x4b: {  	[sflag:s18] =	ssyncset.done $0x0  }
0x4c: {  	s28 =	simm.s32 $0x10;
	[sflag:s18] =	ssyncadd.s32 $0xFFFFFFC0  }
.LBB2_2:
0x4d: {  	[tilespmem:s24], [sflag:$0x2] =	stream.indirect.gather [hbm4b:s4+s22], $0x80, s20, s22, $0xb8;
	[tilespmem:$0x17AC0] =	vst v63  }
0x4e: {  	s29 =	smov.u32 s28  }
0x4f: {  	p0 =	sne.s32 s28, $0x9B0;
	s28 =	sadd.s32 $0x10, s28;
	_ =	swait.ge [sflag:s16], $0x2000  }
0x50: {  	[sflag:s16] =	ssyncset.done $0x0  }
0x51: {  	[sflag:s16] =	ssyncadd.s32 $0xFFFFE000  }
0x52: {  	[spmem:s2] =	stream.indirect.scatter.add.f32 [tilespmem:s23], [sflag:$0x3], $0x80, s19, s22, $0xb8;
	[tilespmem:$0x17AC0] =	vst v63  }
0x53: {  	_ =	swait.ge [sflag:s18], $0x2000  }
0x54: {  	[sflag:s18] =	ssyncset.done $0x0  }
0x55: {  	s30 =	sadd.s32 s29, s13;
	[sflag:s18] =	ssyncadd.s32 $0xFFFFE000  }
0x56: {  	[tilespmem:s17], [sflag:$0x3] =	stream.linear.gather [hbm4b:s30+s3], $0x40, $0x38;
	[tilespmem:$0x17AC0] =	vst v63  }
0x57: {  	_ =	swait.ge [sflag:s18], $0x40  }
0x58: {  	s30 =	sadd.s32 s29, s8;
	[sflag:s18] =	ssyncset.done $0x0  }
0x59: {  	s31 =	sadd.s32 $0x10, s30;
	[sflag:s18] =	ssyncadd.s32 $0xFFFFFFC0  }
0x5a: {  	[tilespmem:s19], [sflag:$0x3] =	stream.linear.gather [hbm4b:s31+s3], $0x40, $0x38;
	[tilespmem:$0x17AC0] =	vst v63  }
0x5b: {  	_ =	swait.ge [sflag:s18], $0x40  }
0x5c: {  	[sflag:s18] =	ssyncset.done $0x0  }
0x5d: {  	[sflag:s18] =	ssyncadd.s32 $0xFFFFFFC0  }
0x5e: {  	[tilespmem:s23], [sflag:$0x1] =	stream.indirect.gather [hbm4b:s4+s22], $0x80, s17, s22, $0xb8;
	[tilespmem:$0x17AC0] =	vst v63  }
0x5f: {  	_ =	swait.ge [sflag:s25], $0x2000  }
0x60: {  	[sflag:s25] =	ssyncset.done $0x0  }
0x61: {  	[sflag:s25] =	ssyncadd.s32 $0xFFFFE000  }
0x62: {  	[spmem:s2] =	stream.indirect.scatter.add.f32 [tilespmem:s24], [sflag:$0x3], $0x80, s21, s22, $0xb8;
	[tilespmem:$0x17AC0] =	vst v63  }
0x63: {  	_ =	swait.ge [sflag:s18], $0x2000  }
0x64: {  	[sflag:s18] =	ssyncset.done $0x0  }
0x65: {  	s29 =	sadd.s32 s29, s14;
	[sflag:s18] =	ssyncadd.s32 $0xFFFFE000  }
0x66: {  	[tilespmem:s20], [sflag:$0x3] =	stream.linear.gather [hbm4b:s29+s3], $0x40, $0x38;
	[tilespmem:$0x17AC0] =	vst v63  }
0x67: {  	_ =	swait.ge [sflag:s18], $0x40  }
0x68: {  	[sflag:s18] =	ssyncset.done $0x0  }
.Ltmp0:
0x69: {  	s29 =	sadd.s32 $0x18, s30;
	[sflag:s18] =	ssyncadd.s32 $0xFFFFFFC0;
	(pc) =	sbr.rel @p0 .LBB2_2-.Ltmp0, $4  }
0x6a: {  	[tilespmem:s21], [sflag:$0x3] =	stream.linear.gather [hbm4b:s29+s3], $0x40, $0x38;
	[tilespmem:$0x17AC0] =	vst v63  }
0x6b: {  	_ =	swait.ge [sflag:s18], $0x40  }
0x6c: {  	[sflag:s18] =	ssyncset.done $0x0  }
0x6d: {  	[sflag:s18] =	ssyncadd.s32 $0xFFFFFFC0  }
0x6e: {  	[tilespmem:s24], [sflag:$0x2] =	stream.indirect.gather [hbm4b:s4+s22], $0x80, s20, s22, $0xb8;
	[tilespmem:$0x17AC0] =	vst v63  }
0x6f: {  	_ =	swait.ge [sflag:s16], $0x2000  }
0x70: {  	[sflag:s16] =	ssyncset.done $0x0  }
0x71: {  	[sflag:s16] =	ssyncadd.s32 $0xFFFFE000  }
0x72: {  	[spmem:s2] =	stream.indirect.scatter.add.f32 [tilespmem:s23], [sflag:$0x3], $0x80, s19, s22, $0xb8;
	[tilespmem:$0x17AC0] =	vst v63  }
0x73: {  	_ =	swait.ge [sflag:s18], $0x2000  }
0x74: {  	[sflag:s18] =	ssyncset.done $0x0  }
0x75: {  	[sflag:s18] =	ssyncadd.s32 $0xFFFFE000  }
0x76: {  	_ =	swait.ge [sflag:s25], $0x2000  }
0x77: {  	[sflag:s25] =	ssyncset.done $0x0  }
0x78: {  	[sflag:s25] =	ssyncadd.s32 $0xFFFFE000  }
0x79: {  	[spmem:s2] =	stream.indirect.scatter.add.f32 [tilespmem:s24], [sflag:$0x3], $0x80, s21, s22, $0xb8;
	[tilespmem:$0x17AC0] =	vst v63  }
0x7a: {  	_ =	swait.ge [sflag:s18], $0x2000  }
0x7b: {  	s26 =	sadd.s32 $0x1, s26;
	[sflag:s18] =	ssyncset.done $0x0  }
0x7c: {  	p0 =	sne.s32 s26, s12;
	[sflag:s18] =	ssyncadd.s32 $0xFFFFE000  }
.Ltmp1:
0x7d: {  	[bflag:$0x0] =	sbarrier.arrive $0xFFFF;
	(pc) =	sbr.rel @p0 .LBB2_1-.Ltmp1, $4  }
0x7e: {  	[hbm:s11], [sflag:s6] =	dma.local [spmem:s15], $0x2780  }
0x7f: {  	_ =	swait.ge [sflag:s16], $0x2780  }
0x80: {  	[sflag:s16] =	ssyncset.done $0x0  }
0x81: {  	[sflag:s16] =	ssyncadd.s32 $0xFFFFD880  }
0x82: {  	_ =	sfence.sel $0x180000  }
0x83: {  	[bflag:$0x0] =	sbarrier.arrive $0xFFFF  }
0x84: {  	p0 =	sne.s32 s0, $0x0;
	_ =	strace $0x9000004A  }
0x85: {  	s0 =	sadd.s32 @!p0 $0x100000, s1;
	[bflag:$0x2] =	sbarrier.arrive $0xFFFF  }
0x86: {  	[sflag:s0] =	ssyncadd.tile.s32 @!p0 $0x1;
	_ =	shalt  }
.Lfunc_end2:
_tile_overlayer_lowered:
.L_overlay_start_2:
0x87: {  	(tag) =	ssettag $0x2  }
0x88: {  	s0 =	rddreg [dreg:$0x0];
	s2 =	stileid.u32  }
0x89: {  	s1 =	rddreg [dreg:$0x1];
	p0 =	sne.s32 s2, $0x0  }
0x8a: {  	s3 =	rddreg [dreg:$0x2];
	[bflag:$0x3] =	sbarrier.arrive $0xFFFF;
	s2 =	simm.s32 @!p0 $0x1C01  }
0x8b: {  	[timem:s3], [sflag:s2] =	dma.local @!p0 [hbm:s0], s1  }
0x8c: {  	s0 =	simm.s32 @!p0 $0x1  }
0x8d: {  	_ =	swait.ge @!p0 [sflag:s0], s1  }
0x8e: {  	s1 =	ssub.s32 @!p0 $0x0, s1;
	[sflag:s0] =	ssyncset.done @!p0 $0x0  }
0x8f: {  	[sflag:s0] =	ssyncadd.s32 @!p0 s1  }
0x90: {  	[bflag:$0x3] =	sbarrier.arrive $0xFFFF  }
0x91: {  	_ =	shalt  }

// kernel: kernel.14.cloned.1.call-start
scs
__scs_entry_jumppad:
0x0: {  	(pc) =	sbr.rel $0x88, $3  }
0x1: {  	(tag) =	ssettag $0x0;
	lr =	simm.s32 $0x1  }
0x2: {  	[smem:$0x3F9B] =	sst lr;
	_ =	strace $0xD0000000  }
0x3: {  	_ = 	snop  }
0x4: {  	_ = 	snop  }
0x5: {  	_ = 	snop  }
0x6: {  	_ = 	snop  }
0x7: {  	_ = 	snop  }
__scs_overlays_trampoline_lowered:
0x8: {  	[smem:$0x3FAA] =	sst s0  }
0x9: {  	[smem:$0x3FAB] =	sst s1  }
0xa: {  	[smem:$0x3FAC] =	sst s2  }
0xb: {  	[smem:$0x3FAD] =	sst s3  }
0xc: {  	[smem:$0x3FAE] =	sst s4  }
0xd: {  	[smem:$0x3FAF] =	sst s5  }
0xe: {  	[smem:$0x3FB0] =	sst s6  }
0xf: {  	[smem:$0x3FB1] =	sst s7  }
0x10: {  	[smem:$0x3FB2] =	sst s8  }
0x11: {  	[smem:$0x3FB3] =	sst s9;
	s0 =	simm.s32 @!p0 $0x0  }
0x12: {  	s1 =	sld [smem:$0x3F99];
	s0 =	simm.s32 @p0 $0x1  }
0x13: {  	[smem:$0x3FB4] =	sst s0;
	s0 =	simm.s32 @!p1 $0x0  }
0x14: {  	s2 =	sld [smem:$0x3F98];
	s0 =	simm.s32 @p1 $0x1  }
0x15: {  	[smem:$0x3FB5] =	sst s0;
	s0 =	simm.s32 @!p2 $0x0  }
0x16: {  	s3 =	sld [smem:$0x3FDB];
	s0 =	simm.s32 @p2 $0x1  }
0x17: {  	s4 =	simm.s32 $0x1BF5;
	[smem:$0x3FB7] =	sst s0  }
0x18: {  	s0 =	sld [smem:$0x3F9A];
	_ =	swait.ge [sflag:s4], $0x0  }
0x19: {  	s7 =	sld [smem:$0x3F9B]  }
0x1a: {  	s8 =	sadd.s32 $0xFFFFE003, lr  }
0x1b: {  	s9 =	sadd.s32 $0xFFFFFEF7, lr;
	s5 =	simm.s32 $0xFFFFFFFF;
	p2 =	slt.u32 s8, $0xFFFFF086  }
0x1c: {  	p1 =	slt.u32 s9, $0xF7A;
	s5 =	simm.s32 @!p2 $0x0  }
0x1d: {  	s5 =	simm.s32 @p1 $0x1;
	p0 =	seq.s32 s7, s2  }
0x1e: {  	s7 =	smul.u32 @!p0 $0xF7A, s2;
	p2 =	seq.s32 @!p0 s5, $0x0  }
0x1f: {  	s9 =	smul.u32 $0xF7A, s1;
	s8 =	simm.s32 @!p0 $0x1BF5;
	p2 =	por !p2, p0  }
0x20: {  	[sflag:s8] =	ssyncset.s32 @!p0 $0xFFFFF086;
	s6 =	sadd.s32 @!p0 s3, s7;
	s7 =	simm.s32 @!p0 $0x108  }
0x21: {  	s3 =	sadd.s32 s3, s9;
	s6 =	sadd.s32 @!p0 $0x88, s6;
	s7 =	simm.s32 @p2 $0x1082  }
0x22: {  	[simem:s7], [sflag:s8] =	dma.local @!p0 [hbm:s6], $0xF7A  }
0x23: {  	s9 =	sor.u32 $0xD0000000, s2;
	s6 =	simm.s32 $0x108;
	_ =	swait.ge @!p0 [sflag:s8], $0x0  }
0x24: {  	s3 =	sadd.s32 $0x88, s3;
	s6 =	simm.s32 @!p1 $0x1082;
	[sflag:s4] =	ssyncset.s32 $0xFFFFF086  }
0x25: {  	[simem:s6], [sflag:s4] =	dma.local [hbm:s3], $0xF7A  }
0x26: {  	[smem:$0x3F9B] =	sst s1;
	(tag) =	ssettag s2;
	_ =	strace s9  }
0x27: {  	s1 =	sld [smem:$0x3FAB]  }
0x28: {  	s2 =	sld [smem:$0x3FAC]  }
0x29: {  	s4 =	sld [smem:$0x3FAE]  }
0x2a: {  	p0 =	seq.s32 s5, $0x0;
	s5 =	sld [smem:$0x3FAF]  }
0x2b: {  	s6 =	sld [smem:$0x3FB0]  }
0x2c: {  	s7 =	sld [smem:$0x3FB1]  }
0x2d: {  	s3 =	simm.s32 $0x108;
	s8 =	sld [smem:$0x3FB2]  }
0x2e: {  	s3 =	simm.s32 @!p0 $0x1082;
	s9 =	sld [smem:$0x3FB3]  }
0x2f: {  	lr =	sadd.s32 s0, s3;
	s0 =	sld [smem:$0x3FAA]  }
0x30: {  	s3 =	sld [smem:$0x3FAD]  }
0x31: {  	[smem:$0x3FB6] =	sst s10  }
0x32: {  	s10 =	sld [smem:$0x3FB4];
	_ =	sdelay $0x3  }
0x33: {  	p0 =	seq.s32 s10, $0x1;
	s10 =	sld [smem:$0x3FB6];
	_ =	sdelay $0x3  }
0x34: {  	[smem:$0x3FB6] =	sst s10  }
0x35: {  	s10 =	sld [smem:$0x3FB5];
	_ =	sdelay $0x3  }
0x36: {  	p1 =	seq.s32 s10, $0x1;
	s10 =	sld [smem:$0x3FB6];
	_ =	sdelay $0x3  }
0x37: {  	[smem:$0x3FB6] =	sst s10  }
0x38: {  	s10 =	sld [smem:$0x3FB7]  }
0x39: {  	_ = 	snop;
	(pc) =	sbr.ind lr, $3  }
0x3a: {  	_ = 	snop  }
0x3b: {  	_ = 	snop  }
0x3c: {  	p2 =	seq.s32 s10, $0x1;
	s10 =	sld [smem:$0x3FB6]  }
0x3d: {  	_ =	shalt  }
0x3e: {  	_ =	shalt  }
0x3f: {  	_ =	shalt  }
0x40: {  	_ =	shalt  }
0x41: {  	_ =	shalt  }
0x42: {  	_ =	shalt  }
0x43: {  	_ =	shalt  }
0x44: {  	_ =	shalt  }
0x45: {  	_ =	shalt  }
0x46: {  	_ =	shalt  }
0x47: {  	_ =	shalt  }
0x48: {  	_ =	shalt  }
0x49: {  	_ =	shalt  }
0x4a: {  	_ =	shalt  }
0x4b: {  	_ =	shalt  }
0x4c: {  	_ =	shalt  }
0x4d: {  	_ =	shalt  }
0x4e: {  	_ =	shalt  }
0x4f: {  	_ =	shalt  }
0x50: {  	_ =	shalt  }
0x51: {  	_ =	shalt  }
0x52: {  	_ =	shalt  }
0x53: {  	_ =	shalt  }
0x54: {  	_ =	shalt  }
0x55: {  	_ =	shalt  }
0x56: {  	_ =	shalt  }
0x57: {  	_ =	shalt  }
0x58: {  	_ =	shalt  }
0x59: {  	_ =	shalt  }
0x5a: {  	_ =	shalt  }
0x5b: {  	_ =	shalt  }
0x5c: {  	_ =	shalt  }
0x5d: {  	_ =	shalt  }
0x5e: {  	_ =	shalt  }
0x5f: {  	_ =	shalt  }
0x60: {  	_ =	shalt  }
0x61: {  	_ =	shalt  }
0x62: {  	_ =	shalt  }
0x63: {  	_ =	shalt  }
0x64: {  	_ =	shalt  }
0x65: {  	_ =	shalt  }
0x66: {  	_ =	shalt  }
0x67: {  	_ =	shalt  }
0x68: {  	_ =	shalt  }
0x69: {  	_ =	shalt  }
0x6a: {  	_ =	shalt  }
0x6b: {  	_ =	shalt  }
0x6c: {  	_ =	shalt  }
0x6d: {  	_ =	shalt  }
0x6e: {  	_ =	shalt  }
0x6f: {  	_ =	shalt  }
0x70: {  	_ =	shalt  }
0x71: {  	_ =	shalt  }
0x72: {  	_ =	shalt  }
0x73: {  	_ =	shalt  }
0x74: {  	_ =	shalt  }
0x75: {  	_ =	shalt  }
0x76: {  	_ =	shalt  }
0x77: {  	_ =	shalt  }
0x78: {  	_ =	shalt  }
0x79: {  	_ =	shalt  }
0x7a: {  	_ =	shalt  }
0x7b: {  	_ =	shalt  }
0x7c: {  	_ =	shalt  }
0x7d: {  	_ =	shalt  }
0x7e: {  	_ =	shalt  }
0x7f: {  	_ =	shalt  }
0x80: {  	_ =	shalt  }
0x81: {  	_ =	shalt  }
0x82: {  	_ =	shalt  }
0x83: {  	_ =	shalt  }
0x84: {  	_ =	shalt  }
0x85: {  	_ =	shalt  }
0x86: {  	_ =	shalt  }
0x87: {  	_ =	shalt  }
.Lfunc_end0:
.L_simem_size_0:
called_computation.2_lowered:
.L_overlay_start_0:
0x88: {  	s2 =	sld [smem:$0x3FD9]  }
0x89: {  	s3 =	sld [smem:$0x3FFE];
	_ =	sdelay $0x1  }
0x8a: {  	s1 =	srdreg.scid  }
0x8b: {  	s0 =	sand.u32 $0x1, s1  }
0x8c: {  	s17 =	sshll.u32 s0, $0xA;
	s2 =	sadd.s32 s3, s2  }
0x8d: {  	s2 =	sadd.s32 s2, s17  }
0x8e: {  	[smem:$0x3FC2] =	sst s2  }
0x8f: {  	_ = 	snop  }
0x90: {  	s2 =	sld [smem:$0x3FD0];
	(tm) =	ssettm $0x1  }
0x91: {  	s18 =	sld [smem:$0x3FFB];
	_ =	sdelay $0x3  }
0x92: {  	_ =	strace s18  }
0x93: {  	s3 =	sld [smem:$0x3FFC];
	_ =	sdelay $0x3  }
0x94: {  	_ =	strace s3  }
0x95: {  	s3 =	sld [smem:$0x3FFD];
	_ =	sdelay $0x3  }
0x96: {  	_ =	strace s3  }
0x97: {  	_ =	strace $0x8FFFFFFF  }
0x98: {  	s19 =	sld [smem:$0x3FDB];
	_ =	sdelay $0x1  }
0x99: {  	s4 =	simm.s32 $_scs_section_size  }
0x9a: {  	s5 =	simm.s32 $_size__tile_overlayer_lowered;
	s6 =	simm.s32 $_tile_overlayer_lowered  }
0x9b: {  	s22 =	simm.s32 $0x1BFF;
	s21 =	sshll.u32 s6, $0x1;
	s3 =	sadd.s32 s4, s19  }
0x9c: {  	s7 =	simm.s32 $0x0;
	s20 =	sshll.u32 s5, $0x1;
	s5 =	sadd.s32 s21, s3  }
0x9d: {  	[timem:s7], [sflag:s22] =	dma.local [hbm:s5], s20  }
0x9e: {  	_ =	swait.ge [sflag:s22], s20  }
0x9f: {  	s4 =	ssub.s32 $0x0, s20;
	[sflag:s22] =	ssyncset.done $0x0  }
0xa0: {  	[sflag:s22] =	ssyncadd.s32 s4;
	_ =	sdelay $0x1  }
0xa1: {  	s23 =	simm.s32 $0x1B8B  }
0xa2: {  	_ =	swait.ge [sflag:s23], $0x1  }
0xa3: {  	[sflag:s23] =	ssyncset.done $0x0  }
0xa4: {  	s25 =	simm.s32 $0x1B8E;
	s24 =	sld [smem:$0x3FFE];
	[sflag:s23] =	ssyncadd.s32 $0xFFFFFFFF  }
0xa5: {  	s26 =	simm.s32 $execute0_lowered;
	[smem:$0x3FD2] =	sst s25  }
0xa6: {  	s5 =	sshll.u32 s26, $0x1;
	_ =	strace $0x8000004C;
	[dreg:$0x1] =	wrdreg $0xFFFFFFFF  }
0xa7: {  	s28 =	simm.s32 $_size_execute0_lowered;
	s3 =	sadd.s32 s3, s5;
	[dreg:$0x0] =	wrdreg $0x0  }
0xa8: {  	s5 =	sshll.u32 s28, $0x1;
	[dreg:$0x2] =	wrdreg s3  }
0xa9: {  	[dreg:$0x3] =	wrdreg s5  }
0xaa: {  	[dreg:$0x4] =	wrdreg $0xC0  }
0xab: {  	_ =	task [dreg:s7], $0x5FFFF  }
0xac: {  	[dreg:$0x1] =	wrdreg $0xFFFFFFFF  }
0xad: {  	[dreg:$0x0] =	wrdreg $0x60  }
0xae: {  	[dreg:$0x2] =	wrdreg s24  }
0xaf: {  	[dreg:$0x3] =	wrdreg s2  }
0xb0: {  	[dreg:$0x4] =	wrdreg $0x0  }
0xb1: {  	[dreg:$0x5] =	wrdreg $0x9  }
0xb2: {  	_ =	task.clear_ibuf [dreg:s7], $0x6FFFF;
	_ =	strace $0x9000004C  }
0xb3: {  	s29 =	simm.s32 $0x9;
	_ =	strace $0x8000004E  }
0xb4: {  	_ =	swait.ge [sflag:s29], $0x1  }
0xb5: {  	[sflag:s29] =	ssyncadd.s32 $0xFFFFFFFF  }
0xb6: {  	_ =	strace $0x9000004E  }
0xb7: {  	_ =	sfence  }
0xb8: {  	s30 =	sld [smem:$0x0];
	_ =	sdelay $0x2  }
0xb9: {  	s31 =	sshll.u32 s1, $0xD;
	s1 =	sshrl.u32 s1, $0x2  }
0xba: {  	s3 =	sand.u32 $0x4000, s31;
	s1 =	sadd.s32 s1, s30  }
0xbb: {  	s0 =	sor.u32 s3, s0;
	s1 =	sshll.u32 s1, $0x11  }
0xbc: {  	s0 =	sor.u32 s1, s0  }
0xbd: {  	s0 =	sadd.s32 $0x8F2B, s0  }
0xbe: {  	[sflag:s0] =	ssyncadd.remote.s32 $0x1  }
0xbf: {  	_ =	sfence.sel $0xFFFF  }
0xc0: {  	[dreg:$0x0] =	wrdreg $0xFFFFFFFF;
	(pc) =	sbr.abs _section_cstart, $3  }
0xc1: {  	[dreg:$0x1] =	wrdreg $0xFFFFFFFF  }
0xc2: {  	_ =	task.clear_ibuf [dreg:s7], $0x2FFFF;
	_ =	strace $0x9FFFFFFF  }
0xc3: {  	(tm) =	ssettm $0x7FFFFFFF  }
tec
execute0_lowered:
.L_overlay_start_1:
0x0: {  	(tag) =	ssettag $0x1  }
0x1: {  	s5 =	rddreg [dreg:$0x0]  }
0x2: {  	s6 =	rddreg [dreg:$0x1]  }
0x3: {  	s1 =	rddreg [dreg:$0x2];
	s3 =	simm.s32 $0x0  }
0x4: {  	s4 =	srdreg.scid;
	s2 =	stileid.u32;
	s18 =	simm.s32 $0x1  }
0x5: {  	s19 =	simm.s32 $0x138C0;
	s20 =	simm.s32 $0x3;
	s21 =	simm.s32 $0x13940  }
0x6: {  	s22 =	simm.s32 $0x139C0;
	s28 =	simm.s32 $0x2;
	s29 =	simm.s32 $0x0  }
0x7: {  	[smem:$0x7FF] =	sst s3;
	s7 =	sand.u32 $0x1, s4;
	s8 =	smul.u32 $0x278, s2  }
0x8: {  	s4 =	sadd.s32 $0x5A400, s5;
	s12 =	sadd.s32 $0x114000, s5;
	s13 =	sadd.s32 $0x2000, s5  }
0x9: {  	s26 =	smul.u32 $0x9E, s2;
	s30 =	sshll.u32 s2, $0x6;
	_ =	strace $0x8000004D  }
0xa: {  	s9 =	smul.u32 $0x2710, s7;
	s10 =	sshll.u32 s7, $0x4;
	s11 =	ssub.s32 $0x2, s7  }
0xb: {  	s23 =	smul.u32 $0x9E0, s7;
	s8 =	smin.u32 s8, $0x2498;
	s10 =	sor.u32 s2, s10  }
0xc: {  	s14 =	sshrl.u32 s11, $0x1;
	s9 =	sadd.s32 s9, s8;
	s10 =	smul.u32 $0x4F0, s10  }
0xd: {  	s14 =	ssub.s32 s11, s14;
	s24 =	sshll.u32 s8, $0x7;
	s25 =	sshll.u32 s8, $0x4  }
0xe: {  	s9 =	sshll.u32 s9, $0x4;
	s17 =	sadd.s32 s24, s1;
	s14 =	smax.u32 s14, $0x1  }
0xf: {  	s24 =	simm.s32 $0x40;
	s15 =	sadd.s32 s9, s5;
	s5 =	sadd.s32 s6, s25  }
0x10: {  	s6 =	sor.u32 $0x1C01, s30;
	s7 =	sadd.s32 s12, s10;
	s9 =	sadd.s32 s26, s23  }
0x11: {  	s8 =	sadd.s32 s13, s10;
	s10 =	sor.u32 $0x8, s10;
	s17 =	sshrl.u32 s17, $0x3  }
0x12: {  	s23 =	simm.s32 $0x13A40;
	s25 =	simm.s32 $0x13AC0;
	s31 =	sshll.u32 s9, $0x3  }
0x13: {  	s26 =	simm.s32 $0x15AC0;
	s9 =	sadd.s32 s12, s10;
	s16 =	sadd.s32 $0x10, s31  }
0x14: {  	s10 =	sadd.s32 s13, s10;
	s12 =	sadd.s32 s16, s12;
	s13 =	sadd.s32 s16, s13  }
0x15: {  	s11 =	sadd.s32 $0x81600, s15;
	s15 =	sadd.s32 $0x8, s12;
	s16 =	sadd.s32 $0x8, s13  }
.LBB2_1:
0x16: {  	[spmem:s17], [sflag:s6] =	dma.local [hbm:s5], $0x2780  }
0x17: {  	_ =	swait.ge [sflag:s18], $0x2780  }
0x18: {  	[sflag:s18] =	ssyncset.done $0x0  }
0x19: {  	[sflag:s18] =	ssyncadd.s32 $0xFFFFD880  }
0x1a: {  	[bflag:$0x0] =	sbarrier.arrive $0xFFFF  }
0x1b: {  	[tilespmem:s19], [sflag:$0x3] =	stream.linear.gather [hbm4b:s7+s3], $0x40, $0x38;
	[tilespmem:$0x17AC0] =	vst v63  }
0x1c: {  	_ =	swait.ge [sflag:s20], $0x40  }
0x1d: {  	[sflag:s20] =	ssyncset.done $0x0  }
0x1e: {  	[sflag:s20] =	ssyncadd.s32 $0xFFFFFFC0  }
0x1f: {  	[tilespmem:s21], [sflag:$0x3] =	stream.linear.gather [hbm4b:s8+s3], $0x40, $0x38;
	[tilespmem:$0x17AC0] =	vst v63  }
0x20: {  	_ =	swait.ge [sflag:s20], $0x40  }
0x21: {  	[sflag:s20] =	ssyncset.done $0x0  }
0x22: {  	[sflag:s20] =	ssyncadd.s32 $0xFFFFFFC0  }
0x23: {  	[tilespmem:s22], [sflag:$0x3] =	stream.linear.gather [hbm4b:s9+s3], $0x40, $0x38;
	[tilespmem:$0x17AC0] =	vst v63  }
0x24: {  	_ =	swait.ge [sflag:s20], $0x40  }
0x25: {  	[sflag:s20] =	ssyncset.done $0x0  }
0x26: {  	[sflag:s20] =	ssyncadd.s32 $0xFFFFFFC0  }
0x27: {  	[tilespmem:s23], [sflag:$0x3] =	stream.linear.gather [hbm4b:s10+s3], $0x40, $0x38;
	[tilespmem:$0x17AC0] =	vst v63  }
0x28: {  	_ =	swait.ge [sflag:s20], $0x40  }
0x29: {  	[sflag:s20] =	ssyncset.done $0x0  }
0x2a: {  	[sflag:s20] =	ssyncadd.s32 $0xFFFFFFC0  }
0x2b: {  	[tilespmem:s25], [sflag:$0x1] =	stream.indirect.gather [hbm4b:s4+s24], $0x80, s19, s24, $0xb8;
	[tilespmem:$0x17AC0] =	vst v63  }
0x2c: {  	_ = 	snop  }
0x2d: {  	[tilespmem:s26], [sflag:$0x2] =	stream.indirect.gather [hbm4b:s4+s24], $0x80, s22, s24, $0xb8;
	[tilespmem:$0x17AC0] =	vst v63  }
0x2e: {  	_ =	swait.ge [sflag:s18], $0x2000  }
0x2f: {  	[sflag:s18] =	ssyncset.done $0x0  }
0x30: {  	[sflag:s18] =	ssyncadd.s32 $0xFFFFE000  }
0x31: {  	[spmem:s1] =	stream.indirect.scatter.add.f32 [tilespmem:s25], [sflag:$0x3], $0x80, s21, s24, $0xb8;
	[tilespmem:$0x17AC0] =	vst v63  }
0x32: {  	_ =	swait.ge [sflag:s20], $0x2000  }
0x33: {  	[sflag:s20] =	ssyncset.done $0x0  }
0x34: {  	s30 =	sadd.s32 $0x0, s12;
	[sflag:s20] =	ssyncadd.s32 $0xFFFFE000  }
0x35: {  	[tilespmem:s19], [sflag:$0x3] =	stream.linear.gather [hbm4b:s30+s3], $0x40, $0x38;
	[tilespmem:$0x17AC0] =	vst v63  }
0x36: {  	_ =	swait.ge [sflag:s20], $0x40  }
0x37: {  	[sflag:s20] =	ssyncset.done $0x0  }
0x38: {  	s30 =	sadd.s32 $0x0, s13;
	[sflag:s20] =	ssyncadd.s32 $0xFFFFFFC0  }
0x39: {  	[tilespmem:s21], [sflag:$0x3] =	stream.linear.gather [hbm4b:s30+s3], $0x40, $0x38;
	[tilespmem:$0x17AC0] =	vst v63  }
0x3a: {  	_ =	swait.ge [sflag:s20], $0x40  }
0x3b: {  	[sflag:s20] =	ssyncset.done $0x0  }
0x3c: {  	[sflag:s20] =	ssyncadd.s32 $0xFFFFFFC0  }
0x3d: {  	[tilespmem:s25], [sflag:$0x1] =	stream.indirect.gather [hbm4b:s4+s24], $0x80, s19, s24, $0xb8;
	[tilespmem:$0x17AC0] =	vst v63  }
0x3e: {  	_ =	swait.ge [sflag:s28], $0x2000  }
0x3f: {  	[sflag:s28] =	ssyncset.done $0x0  }
0x40: {  	[sflag:s28] =	ssyncadd.s32 $0xFFFFE000  }
0x41: {  	[spmem:s1] =	stream.indirect.scatter.add.f32 [tilespmem:s26], [sflag:$0x3], $0x80, s23, s24, $0xb8;
	[tilespmem:$0x17AC0] =	vst v63  }
0x42: {  	_ =	swait.ge [sflag:s20], $0x2000  }
0x43: {  	[sflag:s20] =	ssyncset.done $0x0  }
0x44: {  	s30 =	sadd.s32 $0x0, s15;
	[sflag:s20] =	ssyncadd.s32 $0xFFFFE000  }
0x45: {  	[tilespmem:s22], [sflag:$0x3] =	stream.linear.gather [hbm4b:s30+s3], $0x40, $0x38;
	[tilespmem:$0x17AC0] =	vst v63  }
0x46: {  	_ =	swait.ge [sflag:s20], $0x40  }
0x47: {  	[sflag:s20] =	ssyncset.done $0x0  }
0x48: {  	s30 =	sadd.s32 $0x0, s16;
	[sflag:s20] =	ssyncadd.s32 $0xFFFFFFC0  }
0x49: {  	[tilespmem:s23], [sflag:$0x3] =	stream.linear.gather [hbm4b:s30+s3], $0x40, $0x38;
	[tilespmem:$0x17AC0] =	vst v63  }
0x4a: {  	_ =	swait.ge [sflag:s20], $0x40  }
0x4b: {  	[sflag:s20] =	ssyncset.done $0x0  }
0x4c: {  	s30 =	simm.s32 $0x10;
	[sflag:s20] =	ssyncadd.s32 $0xFFFFFFC0  }
.LBB2_2:
0x4d: {  	[tilespmem:s26], [sflag:$0x2] =	stream.indirect.gather [hbm4b:s4+s24], $0x80, s22, s24, $0xb8;
	[tilespmem:$0x17AC0] =	vst v63  }
0x4e: {  	s31 =	smov.u32 s30  }
0x4f: {  	p0 =	sne.s32 s30, $0x4D0;
	s30 =	sadd.s32 $0x10, s30;
	_ =	swait.ge [sflag:s18], $0x2000  }
0x50: {  	[sflag:s18] =	ssyncset.done $0x0  }
0x51: {  	[sflag:s18] =	ssyncadd.s32 $0xFFFFE000  }
0x52: {  	[spmem:s1] =	stream.indirect.scatter.add.f32 [tilespmem:s25], [sflag:$0x3], $0x80, s21, s24, $0xb8;
	[tilespmem:$0x17AC0] =	vst v63  }
0x53: {  	_ =	swait.ge [sflag:s20], $0x2000  }
0x54: {  	[sflag:s20] =	ssyncset.done $0x0  }
0x55: {  	s0 =	sadd.s32 s31, s12;
	[sflag:s20] =	ssyncadd.s32 $0xFFFFE000  }
0x56: {  	[tilespmem:s19], [sflag:$0x3] =	stream.linear.gather [hbm4b:s0+s3], $0x40, $0x38;
	[tilespmem:$0x17AC0] =	vst v63  }
0x57: {  	_ =	swait.ge [sflag:s20], $0x40  }
0x58: {  	[sflag:s20] =	ssyncset.done $0x0  }
0x59: {  	s0 =	sadd.s32 s31, s13;
	[sflag:s20] =	ssyncadd.s32 $0xFFFFFFC0  }
0x5a: {  	[tilespmem:s21], [sflag:$0x3] =	stream.linear.gather [hbm4b:s0+s3], $0x40, $0x38;
	[tilespmem:$0x17AC0] =	vst v63  }
0x5b: {  	_ =	swait.ge [sflag:s20], $0x40  }
0x5c: {  	[sflag:s20] =	ssyncset.done $0x0  }
0x5d: {  	[sflag:s20] =	ssyncadd.s32 $0xFFFFFFC0  }
0x5e: {  	[tilespmem:s25], [sflag:$0x1] =	stream.indirect.gather [hbm4b:s4+s24], $0x80, s19, s24, $0xb8;
	[tilespmem:$0x17AC0] =	vst v63  }
0x5f: {  	_ =	swait.ge [sflag:s28], $0x2000  }
0x60: {  	[sflag:s28] =	ssyncset.done $0x0  }
0x61: {  	[sflag:s28] =	ssyncadd.s32 $0xFFFFE000  }
0x62: {  	[spmem:s1] =	stream.indirect.scatter.add.f32 [tilespmem:s26], [sflag:$0x3], $0x80, s23, s24, $0xb8;
	[tilespmem:$0x17AC0] =	vst v63  }
0x63: {  	_ =	swait.ge [sflag:s20], $0x2000  }
0x64: {  	[sflag:s20] =	ssyncset.done $0x0  }
0x65: {  	s0 =	sadd.s32 s31, s15;
	[sflag:s20] =	ssyncadd.s32 $0xFFFFE000  }
0x66: {  	[tilespmem:s22], [sflag:$0x3] =	stream.linear.gather [hbm4b:s0+s3], $0x40, $0x38;
	[tilespmem:$0x17AC0] =	vst v63  }
0x67: {  	_ =	swait.ge [sflag:s20], $0x40  }
0x68: {  	[sflag:s20] =	ssyncset.done $0x0  }
.Ltmp0:
0x69: {  	s0 =	sadd.s32 s31, s16;
	[sflag:s20] =	ssyncadd.s32 $0xFFFFFFC0;
	(pc) =	sbr.rel @p0 .LBB2_2-.Ltmp0, $4  }
0x6a: {  	[tilespmem:s23], [sflag:$0x3] =	stream.linear.gather [hbm4b:s0+s3], $0x40, $0x38;
	[tilespmem:$0x17AC0] =	vst v63  }
0x6b: {  	_ =	swait.ge [sflag:s20], $0x40  }
0x6c: {  	[sflag:s20] =	ssyncset.done $0x0  }
0x6d: {  	[sflag:s20] =	ssyncadd.s32 $0xFFFFFFC0  }
0x6e: {  	[tilespmem:s26], [sflag:$0x2] =	stream.indirect.gather [hbm4b:s4+s24], $0x80, s22, s24, $0xb8;
	[tilespmem:$0x17AC0] =	vst v63  }
0x6f: {  	_ =	swait.ge [sflag:s18], $0x2000  }
0x70: {  	[sflag:s18] =	ssyncset.done $0x0  }
0x71: {  	[sflag:s18] =	ssyncadd.s32 $0xFFFFE000  }
0x72: {  	[spmem:s1] =	stream.indirect.scatter.add.f32 [tilespmem:s25], [sflag:$0x3], $0x80, s21, s24, $0xb8;
	[tilespmem:$0x17AC0] =	vst v63  }
0x73: {  	_ =	swait.ge [sflag:s20], $0x2000  }
0x74: {  	[sflag:s20] =	ssyncset.done $0x0  }
0x75: {  	[sflag:s20] =	ssyncadd.s32 $0xFFFFE000  }
0x76: {  	_ =	swait.ge [sflag:s28], $0x2000  }
0x77: {  	[sflag:s28] =	ssyncset.done $0x0  }
0x78: {  	[sflag:s28] =	ssyncadd.s32 $0xFFFFE000  }
0x79: {  	[spmem:s1] =	stream.indirect.scatter.add.f32 [tilespmem:s26], [sflag:$0x3], $0x80, s23, s24, $0xb8;
	[tilespmem:$0x17AC0] =	vst v63  }
0x7a: {  	_ =	swait.ge [sflag:s20], $0x2000  }
0x7b: {  	s29 =	sadd.s32 $0x1, s29;
	[sflag:s20] =	ssyncset.done $0x0  }
0x7c: {  	p0 =	sne.s32 s29, s14;
	[sflag:s20] =	ssyncadd.s32 $0xFFFFE000  }
.Ltmp1:
0x7d: {  	[bflag:$0x0] =	sbarrier.arrive $0xFFFF;
	(pc) =	sbr.rel @p0 .LBB2_1-.Ltmp1, $4  }
0x7e: {  	[hbm:s11], [sflag:s6] =	dma.local [spmem:s17], $0x2780  }
0x7f: {  	_ =	swait.ge [sflag:s18], $0x2780  }
0x80: {  	[sflag:s18] =	ssyncset.done $0x0  }
0x81: {  	[sflag:s18] =	ssyncadd.s32 $0xFFFFD880  }
0x82: {  	_ =	sfence.sel $0x180000  }
0x83: {  	[bflag:$0x0] =	sbarrier.arrive $0xFFFF  }
0x84: {  	_ =	strace $0x9000004D  }
0x85: {  	[bflag:$0x2] =	sbarrier.arrive $0xFFFF  }
0x86: {  	p0 =	sne.s32 s2, $0x0;
	s0 =	rddreg [dreg:$0x3]  }
0x87: {  	s0 =	sadd.s32 @!p0 $0x100000, s0  }
0x88: {  	[sflag:s0] =	ssyncadd.tile.s32 @!p0 $0x1;
	_ =	shalt  }
.Lfunc_end2:
_tile_overlayer_lowered:
.L_overlay_start_2:
0x89: {  	(tag) =	ssettag $0x2  }
0x8a: {  	s0 =	rddreg [dreg:$0x0];
	s2 =	stileid.u32  }
0x8b: {  	s1 =	rddreg [dreg:$0x1];
	p0 =	sne.s32 s2, $0x0  }
0x8c: {  	s3 =	rddreg [dreg:$0x2];
	[bflag:$0x3] =	sbarrier.arrive $0xFFFF;
	s2 =	simm.s32 @!p0 $0x1C01  }
0x8d: {  	[timem:s3], [sflag:s2] =	dma.local @!p0 [hbm:s0], s1  }
0x8e: {  	s0 =	simm.s32 @!p0 $0x1  }
0x8f: {  	_ =	swait.ge @!p0 [sflag:s0], s1  }
0x90: {  	s1 =	ssub.s32 @!p0 $0x0, s1;
	[sflag:s0] =	ssyncset.done @!p0 $0x0  }
0x91: {  	[sflag:s0] =	ssyncadd.s32 @!p0 s1  }
0x92: {  	[bflag:$0x3] =	sbarrier.arrive $0xFFFF  }
0x93: {  	_ =	shalt  }

// kernel: kernel.8.cloned.1.call-start
scs
__scs_entry_jumppad:
0x0: {  	(pc) =	sbr.rel $0x88, $3  }
0x1: {  	(tag) =	ssettag $0x0;
	lr =	simm.s32 $0x1  }
0x2: {  	[smem:$0x3F9B] =	sst lr;
	_ =	strace $0xD0000000  }
0x3: {  	_ = 	snop  }
0x4: {  	_ = 	snop  }
0x5: {  	_ = 	snop  }
0x6: {  	_ = 	snop  }
0x7: {  	_ = 	snop  }
__scs_overlays_trampoline_lowered:
0x8: {  	[smem:$0x3FAA] =	sst s0  }
0x9: {  	[smem:$0x3FAB] =	sst s1  }
0xa: {  	[smem:$0x3FAC] =	sst s2  }
0xb: {  	[smem:$0x3FAD] =	sst s3  }
0xc: {  	[smem:$0x3FAE] =	sst s4  }
0xd: {  	[smem:$0x3FAF] =	sst s5  }
0xe: {  	[smem:$0x3FB0] =	sst s6  }
0xf: {  	[smem:$0x3FB1] =	sst s7  }
0x10: {  	[smem:$0x3FB2] =	sst s8  }
0x11: {  	[smem:$0x3FB3] =	sst s9;
	s0 =	simm.s32 @!p0 $0x0  }
0x12: {  	s1 =	sld [smem:$0x3F99];
	s0 =	simm.s32 @p0 $0x1  }
0x13: {  	[smem:$0x3FB4] =	sst s0;
	s0 =	simm.s32 @!p1 $0x0  }
0x14: {  	s2 =	sld [smem:$0x3F98];
	s0 =	simm.s32 @p1 $0x1  }
0x15: {  	[smem:$0x3FB5] =	sst s0;
	s0 =	simm.s32 @!p2 $0x0  }
0x16: {  	s3 =	sld [smem:$0x3FDB];
	s0 =	simm.s32 @p2 $0x1  }
0x17: {  	s4 =	simm.s32 $0x1BF5;
	[smem:$0x3FB7] =	sst s0  }
0x18: {  	s0 =	sld [smem:$0x3F9A];
	_ =	swait.ge [sflag:s4], $0x0  }
0x19: {  	s7 =	sld [smem:$0x3F9B]  }
0x1a: {  	s8 =	sadd.s32 $0xFFFFE003, lr  }
0x1b: {  	s9 =	sadd.s32 $0xFFFFFEF7, lr;
	s5 =	simm.s32 $0xFFFFFFFF;
	p2 =	slt.u32 s8, $0xFFFFF086  }
0x1c: {  	p1 =	slt.u32 s9, $0xF7A;
	s5 =	simm.s32 @!p2 $0x0  }
0x1d: {  	s5 =	simm.s32 @p1 $0x1;
	p0 =	seq.s32 s7, s2  }
0x1e: {  	s7 =	smul.u32 @!p0 $0xF7A, s2;
	p2 =	seq.s32 @!p0 s5, $0x0  }
0x1f: {  	s9 =	smul.u32 $0xF7A, s1;
	s8 =	simm.s32 @!p0 $0x1BF5;
	p2 =	por !p2, p0  }
0x20: {  	[sflag:s8] =	ssyncset.s32 @!p0 $0xFFFFF086;
	s6 =	sadd.s32 @!p0 s3, s7;
	s7 =	simm.s32 @!p0 $0x108  }
0x21: {  	s3 =	sadd.s32 s3, s9;
	s6 =	sadd.s32 @!p0 $0x88, s6;
	s7 =	simm.s32 @p2 $0x1082  }
0x22: {  	[simem:s7], [sflag:s8] =	dma.local @!p0 [hbm:s6], $0xF7A  }
0x23: {  	s9 =	sor.u32 $0xD0000000, s2;
	s6 =	simm.s32 $0x108;
	_ =	swait.ge @!p0 [sflag:s8], $0x0  }
0x24: {  	s3 =	sadd.s32 $0x88, s3;
	s6 =	simm.s32 @!p1 $0x1082;
	[sflag:s4] =	ssyncset.s32 $0xFFFFF086  }
0x25: {  	[simem:s6], [sflag:s4] =	dma.local [hbm:s3], $0xF7A  }
0x26: {  	[smem:$0x3F9B] =	sst s1;
	(tag) =	ssettag s2;
	_ =	strace s9  }
0x27: {  	s1 =	sld [smem:$0x3FAB]  }
0x28: {  	s2 =	sld [smem:$0x3FAC]  }
0x29: {  	s4 =	sld [smem:$0x3FAE]  }
0x2a: {  	p0 =	seq.s32 s5, $0x0;
	s5 =	sld [smem:$0x3FAF]  }
0x2b: {  	s6 =	sld [smem:$0x3FB0]  }
0x2c: {  	s7 =	sld [smem:$0x3FB1]  }
0x2d: {  	s3 =	simm.s32 $0x108;
	s8 =	sld [smem:$0x3FB2]  }
0x2e: {  	s3 =	simm.s32 @!p0 $0x1082;
	s9 =	sld [smem:$0x3FB3]  }
0x2f: {  	lr =	sadd.s32 s0, s3;
	s0 =	sld [smem:$0x3FAA]  }
0x30: {  	s3 =	sld [smem:$0x3FAD]  }
0x31: {  	[smem:$0x3FB6] =	sst s10  }
0x32: {  	s10 =	sld [smem:$0x3FB4];
	_ =	sdelay $0x3  }
0x33: {  	p0 =	seq.s32 s10, $0x1;
	s10 =	sld [smem:$0x3FB6];
	_ =	sdelay $0x3  }
0x34: {  	[smem:$0x3FB6] =	sst s10  }
0x35: {  	s10 =	sld [smem:$0x3FB5];
	_ =	sdelay $0x3  }
0x36: {  	p1 =	seq.s32 s10, $0x1;
	s10 =	sld [smem:$0x3FB6];
	_ =	sdelay $0x3  }
0x37: {  	[smem:$0x3FB6] =	sst s10  }
0x38: {  	s10 =	sld [smem:$0x3FB7]  }
0x39: {  	_ = 	snop;
	(pc) =	sbr.ind lr, $3  }
0x3a: {  	_ = 	snop  }
0x3b: {  	_ = 	snop  }
0x3c: {  	p2 =	seq.s32 s10, $0x1;
	s10 =	sld [smem:$0x3FB6]  }
0x3d: {  	_ =	shalt  }
0x3e: {  	_ =	shalt  }
0x3f: {  	_ =	shalt  }
0x40: {  	_ =	shalt  }
0x41: {  	_ =	shalt  }
0x42: {  	_ =	shalt  }
0x43: {  	_ =	shalt  }
0x44: {  	_ =	shalt  }
0x45: {  	_ =	shalt  }
0x46: {  	_ =	shalt  }
0x47: {  	_ =	shalt  }
0x48: {  	_ =	shalt  }
0x49: {  	_ =	shalt  }
0x4a: {  	_ =	shalt  }
0x4b: {  	_ =	shalt  }
0x4c: {  	_ =	shalt  }
0x4d: {  	_ =	shalt  }
0x4e: {  	_ =	shalt  }
0x4f: {  	_ =	shalt  }
0x50: {  	_ =	shalt  }
0x51: {  	_ =	shalt  }
0x52: {  	_ =	shalt  }
0x53: {  	_ =	shalt  }
0x54: {  	_ =	shalt  }
0x55: {  	_ =	shalt  }
0x56: {  	_ =	shalt  }
0x57: {  	_ =	shalt  }
0x58: {  	_ =	shalt  }
0x59: {  	_ =	shalt  }
0x5a: {  	_ =	shalt  }
0x5b: {  	_ =	shalt  }
0x5c: {  	_ =	shalt  }
0x5d: {  	_ =	shalt  }
0x5e: {  	_ =	shalt  }
0x5f: {  	_ =	shalt  }
0x60: {  	_ =	shalt  }
0x61: {  	_ =	shalt  }
0x62: {  	_ =	shalt  }
0x63: {  	_ =	shalt  }
0x64: {  	_ =	shalt  }
0x65: {  	_ =	shalt  }
0x66: {  	_ =	shalt  }
0x67: {  	_ =	shalt  }
0x68: {  	_ =	shalt  }
0x69: {  	_ =	shalt  }
0x6a: {  	_ =	shalt  }
0x6b: {  	_ =	shalt  }
0x6c: {  	_ =	shalt  }
0x6d: {  	_ =	shalt  }
0x6e: {  	_ =	shalt  }
0x6f: {  	_ =	shalt  }
0x70: {  	_ =	shalt  }
0x71: {  	_ =	shalt  }
0x72: {  	_ =	shalt  }
0x73: {  	_ =	shalt  }
0x74: {  	_ =	shalt  }
0x75: {  	_ =	shalt  }
0x76: {  	_ =	shalt  }
0x77: {  	_ =	shalt  }
0x78: {  	_ =	shalt  }
0x79: {  	_ =	shalt  }
0x7a: {  	_ =	shalt  }
0x7b: {  	_ =	shalt  }
0x7c: {  	_ =	shalt  }
0x7d: {  	_ =	shalt  }
0x7e: {  	_ =	shalt  }
0x7f: {  	_ =	shalt  }
0x80: {  	_ =	shalt  }
0x81: {  	_ =	shalt  }
0x82: {  	_ =	shalt  }
0x83: {  	_ =	shalt  }
0x84: {  	_ =	shalt  }
0x85: {  	_ =	shalt  }
0x86: {  	_ =	shalt  }
0x87: {  	_ =	shalt  }
.Lfunc_end0:
.L_simem_size_0:
called_computation_lowered:
.L_overlay_start_0:
0x88: {  	s2 =	sld [smem:$0x3FD9]  }
0x89: {  	s3 =	sld [smem:$0x3FFE];
	_ =	sdelay $0x1  }
0x8a: {  	s1 =	srdreg.scid  }
0x8b: {  	s0 =	sand.u32 $0x1, s1  }
0x8c: {  	s17 =	sshll.u32 s0, $0xA;
	s2 =	sadd.s32 s3, s2  }
0x8d: {  	s2 =	sadd.s32 s2, s17  }
0x8e: {  	[smem:$0x3FC2] =	sst s2  }
0x8f: {  	_ = 	snop  }
0x90: {  	s2 =	sld [smem:$0x3FD0];
	(tm) =	ssettm $0x1  }
0x91: {  	s18 =	sld [smem:$0x3FFB];
	_ =	sdelay $0x3  }
0x92: {  	_ =	strace s18  }
0x93: {  	s3 =	sld [smem:$0x3FFC];
	_ =	sdelay $0x3  }
0x94: {  	_ =	strace s3  }
0x95: {  	s3 =	sld [smem:$0x3FFD];
	_ =	sdelay $0x3  }
0x96: {  	_ =	strace s3  }
0x97: {  	_ =	strace $0x8FFFFFFF  }
0x98: {  	s19 =	sld [smem:$0x3FDB];
	_ =	sdelay $0x1  }
0x99: {  	s4 =	simm.s32 $_scs_section_size  }
0x9a: {  	s5 =	simm.s32 $_size__tile_overlayer_lowered;
	s6 =	simm.s32 $_tile_overlayer_lowered  }
0x9b: {  	s22 =	simm.s32 $0x1BFF;
	s21 =	sshll.u32 s6, $0x1;
	s3 =	sadd.s32 s4, s19  }
0x9c: {  	s7 =	simm.s32 $0x0;
	s20 =	sshll.u32 s5, $0x1;
	s5 =	sadd.s32 s21, s3  }
0x9d: {  	[timem:s7], [sflag:s22] =	dma.local [hbm:s5], s20  }
0x9e: {  	_ =	swait.ge [sflag:s22], s20  }
0x9f: {  	s4 =	ssub.s32 $0x0, s20;
	[sflag:s22] =	ssyncset.done $0x0  }
0xa0: {  	[sflag:s22] =	ssyncadd.s32 s4;
	_ =	sdelay $0x1  }
0xa1: {  	s23 =	simm.s32 $0x1B8B  }
0xa2: {  	_ =	swait.ge [sflag:s23], $0x1  }
0xa3: {  	[sflag:s23] =	ssyncset.done $0x0  }
0xa4: {  	s25 =	simm.s32 $0x1B8E;
	s24 =	sld [smem:$0x3FFE];
	[sflag:s23] =	ssyncadd.s32 $0xFFFFFFFF  }
0xa5: {  	s26 =	simm.s32 $execute0_lowered;
	[smem:$0x3FD2] =	sst s25  }
0xa6: {  	s5 =	sshll.u32 s26, $0x1;
	_ =	strace $0x80000046;
	[dreg:$0x1] =	wrdreg $0xFFFFFFFF  }
0xa7: {  	s28 =	simm.s32 $_size_execute0_lowered;
	s3 =	sadd.s32 s3, s5;
	[dreg:$0x0] =	wrdreg $0x0  }
0xa8: {  	s5 =	sshll.u32 s28, $0x1;
	[dreg:$0x2] =	wrdreg s3  }
0xa9: {  	[dreg:$0x3] =	wrdreg s5  }
0xaa: {  	[dreg:$0x4] =	wrdreg $0xC0  }
0xab: {  	_ =	task [dreg:s7], $0x5FFFF  }
0xac: {  	[dreg:$0x1] =	wrdreg $0xFFFFFFFF  }
0xad: {  	[dreg:$0x0] =	wrdreg $0x60  }
0xae: {  	[dreg:$0x2] =	wrdreg s24  }
0xaf: {  	[dreg:$0x3] =	wrdreg s2  }
0xb0: {  	[dreg:$0x4] =	wrdreg $0x0  }
0xb1: {  	[dreg:$0x5] =	wrdreg $0x9  }
0xb2: {  	_ =	task.clear_ibuf [dreg:s7], $0x6FFFF;
	_ =	strace $0x90000046  }
0xb3: {  	s29 =	simm.s32 $0x9;
	_ =	strace $0x80000048  }
0xb4: {  	_ =	swait.ge [sflag:s29], $0x1  }
0xb5: {  	[sflag:s29] =	ssyncadd.s32 $0xFFFFFFFF  }
0xb6: {  	_ =	strace $0x90000048  }
0xb7: {  	_ =	sfence  }
0xb8: {  	s30 =	sld [smem:$0x0];
	_ =	sdelay $0x2  }
0xb9: {  	s31 =	sshll.u32 s1, $0xD;
	s1 =	sshrl.u32 s1, $0x2  }
0xba: {  	s3 =	sand.u32 $0x4000, s31;
	s1 =	sadd.s32 s1, s30  }
0xbb: {  	s0 =	sor.u32 s3, s0;
	s1 =	sshll.u32 s1, $0x11  }
0xbc: {  	s0 =	sor.u32 s1, s0  }
0xbd: {  	s0 =	sadd.s32 $0x8F2B, s0  }
0xbe: {  	[sflag:s0] =	ssyncadd.remote.s32 $0x1  }
0xbf: {  	_ =	sfence.sel $0xFFFF  }
0xc0: {  	[dreg:$0x0] =	wrdreg $0xFFFFFFFF;
	(pc) =	sbr.abs _section_cstart, $3  }
0xc1: {  	[dreg:$0x1] =	wrdreg $0xFFFFFFFF  }
0xc2: {  	_ =	task.clear_ibuf [dreg:s7], $0x2FFFF;
	_ =	strace $0x9FFFFFFF  }
0xc3: {  	(tm) =	ssettm $0x7FFFFFFF  }
tec
execute0_lowered:
.L_overlay_start_1:
0x0: {  	(tag) =	ssettag $0x1  }
0x1: {  	s5 =	rddreg [dreg:$0x0]  }
0x2: {  	s6 =	rddreg [dreg:$0x1];
	s1 =	srdreg.scid  }
0x3: {  	s0 =	stileid.u32;
	s2 =	rddreg [dreg:$0x2];
	s3 =	simm.s32 $0x0  }
0x4: {  	s14 =	simm.s32 $0x40;
	s15 =	simm.s32 $0x0;
	s7 =	smul.u32 $0x278, s0  }
0x5: {  	s4 =	sand.u32 $0x1, s1;
	s1 =	rddreg [dreg:$0x3];
	s12 =	smul.u32 $0x4F0, s0  }
0x6: {  	[smem:$0x7FF] =	sst s3;
	s31 =	sshll.u32 s0, $0x6;
	s8 =	smul.u32 $0x2710, s4  }
0x7: {  	s9 =	smul.u32 $0x4F00, s4;
	_ =	strace $0x80000047;
	s10 =	ssub.s32 $0x2, s4  }
0x8: {  	s4 =	sadd.s32 $0xBE00, s5;
	s7 =	smin.u32 s7, $0x2498;
	s29 =	sshrl.u32 s10, $0x1  }
0x9: {  	s8 =	sadd.s32 s8, s7;
	s9 =	sadd.s32 s9, s5;
	s11 =	sshll.u32 s7, $0x7  }
0xa: {  	s7 =	sshll.u32 s7, $0x4;
	s10 =	ssub.s32 s10, s29;
	s8 =	sshll.u32 s8, $0x4  }
0xb: {  	s13 =	sadd.s32 s11, s2;
	s30 =	sadd.s32 s12, s9;
	s9 =	simm.s32 $0x13940  }
0xc: {  	s11 =	sor.u32 $0x1C01, s31;
	s8 =	sadd.s32 s8, s5;
	s5 =	sadd.s32 s6, s7  }
0xd: {  	s7 =	smax.u32 s10, $0x1;
	s10 =	simm.s32 $0x1;
	s12 =	sshrl.u32 s13, $0x3  }
0xe: {  	s13 =	simm.s32 $0x138C0;
	s6 =	sadd.s32 $0xC200, s8;
	s8 =	sadd.s32 $0x2000, s30  }
.LBB2_1:
0xf: {  	[tilespmem:s9], [sflag:$0x1] =	stream.linear.gather [hbm4b:s4+s3], $0x2000, $0x38;
	[tilespmem:$0x15940] =	vst v63  }
0x10: {  	_ =	swait.ge [sflag:s10], $0x2000  }
0x11: {  	[sflag:s10] =	ssyncset.done $0x0  }
0x12: {  	[sflag:s10] =	ssyncadd.s32 $0xFFFFE000  }
0x13: {  	[spmem:s12], [sflag:s11] =	dma.local [hbm:s5], $0x2780  }
0x14: {  	_ =	swait.ge [sflag:s10], $0x2780  }
0x15: {  	[sflag:s10] =	ssyncset.done $0x0  }
0x16: {  	[sflag:s10] =	ssyncadd.s32 $0xFFFFD880  }
0x17: {  	s16 =	sadd.s32 $0x0, s8;
	[bflag:$0x0] =	sbarrier.arrive $0xFFFF  }
0x18: {  	[tilespmem:s13], [sflag:$0x1] =	stream.linear.gather [hbm4b:s16+s3], $0x40, $0x38;
	[tilespmem:$0x15940] =	vst v63  }
0x19: {  	_ =	swait.ge [sflag:s10], $0x40  }
0x1a: {  	[sflag:s10] =	ssyncset.done $0x0  }
0x1b: {  	[sflag:s10] =	ssyncadd.s32 $0xFFFFFFC0  }
0x1c: {  	[spmem:s2] =	stream.indirect.scatter.add.f32 [tilespmem:s9], [sflag:$0x1], $0x80, s13, s14, $0xb8;
	[tilespmem:$0x15940] =	vst v63  }
0x1d: {  	_ =	swait.ge [sflag:s10], $0x2000  }
0x1e: {  	s17 =	simm.s32 $0x10;
	s16 =	simm.s32 $0x8;
	[sflag:s10] =	ssyncset.done $0x0  }
.LBB2_2:
0x1f: {  	s18 =	sadd.s32 s16, s8  }
0x20: {  	[sflag:s10] =	ssyncadd.s32 $0xFFFFE000;
	s16 =	smov.u32 s17;
	s19 =	sadd.s32 $0x8, s17  }
0x21: {  	[tilespmem:s13], [sflag:$0x1] =	stream.linear.gather [hbm4b:s18+s3], $0x40, $0x38;
	[tilespmem:$0x15940] =	vst v63  }
0x22: {  	p0 =	sne.s32 s17, $0x4E8;
	_ =	swait.ge [sflag:s10], $0x40  }
.Ltmp0:
0x23: {  	[sflag:s10] =	ssyncset.done $0x0;
	(pc) =	sbr.rel @p0 .LBB2_2-.Ltmp0, $4  }
0x24: {  	[sflag:s10] =	ssyncadd.s32 $0xFFFFFFC0  }
0x25: {  	[spmem:s2] =	stream.indirect.scatter.add.f32 [tilespmem:s9], [sflag:$0x1], $0x80, s13, s14, $0xb8;
	[tilespmem:$0x15940] =	vst v63  }
0x26: {  	_ =	swait.ge [sflag:s10], $0x2000  }
0x27: {  	s17 =	smov.u32 s19;
	[sflag:s10] =	ssyncset.done $0x0  }
0x28: {  	s16 =	sadd.s32 s16, s8;
	[sflag:s10] =	ssyncadd.s32 $0xFFFFE000  }
0x29: {  	[tilespmem:s13], [sflag:$0x1] =	stream.linear.gather [hbm4b:s16+s3], $0x40, $0x38;
	[tilespmem:$0x15940] =	vst v63  }
0x2a: {  	_ =	swait.ge [sflag:s10], $0x40  }
0x2b: {  	[sflag:s10] =	ssyncset.done $0x0  }
0x2c: {  	[sflag:s10] =	ssyncadd.s32 $0xFFFFFFC0  }
0x2d: {  	[spmem:s2] =	stream.indirect.scatter.add.f32 [tilespmem:s9], [sflag:$0x1], $0x80, s13, s14, $0xb8;
	[tilespmem:$0x15940] =	vst v63  }
0x2e: {  	_ =	swait.ge [sflag:s10], $0x2000  }
0x2f: {  	s15 =	sadd.s32 $0x1, s15;
	[sflag:s10] =	ssyncset.done $0x0  }
0x30: {  	p0 =	sne.s32 s15, s7;
	[sflag:s10] =	ssyncadd.s32 $0xFFFFE000  }
.Ltmp1:
0x31: {  	[bflag:$0x0] =	sbarrier.arrive $0xFFFF;
	(pc) =	sbr.rel @p0 .LBB2_1-.Ltmp1, $4  }
0x32: {  	[hbm:s6], [sflag:s11] =	dma.local [spmem:s12], $0x2780  }
0x33: {  	_ =	swait.ge [sflag:s10], $0x2780  }
0x34: {  	[sflag:s10] =	ssyncset.done $0x0  }
0x35: {  	[sflag:s10] =	ssyncadd.s32 $0xFFFFD880  }
0x36: {  	_ =	sfence.sel $0x180000  }
0x37: {  	[bflag:$0x0] =	sbarrier.arrive $0xFFFF  }
0x38: {  	p0 =	sne.s32 s0, $0x0;
	_ =	strace $0x90000047  }
0x39: {  	s0 =	sadd.s32 @!p0 $0x100000, s1;
	[bflag:$0x2] =	sbarrier.arrive $0xFFFF  }
0x3a: {  	[sflag:s0] =	ssyncadd.tile.s32 @!p0 $0x1;
	_ =	shalt  }
.Lfunc_end2:
_tile_overlayer_lowered:
.L_overlay_start_2:
0x3b: {  	(tag) =	ssettag $0x2  }
0x3c: {  	s0 =	rddreg [dreg:$0x0];
	s2 =	stileid.u32  }
0x3d: {  	s1 =	rddreg [dreg:$0x1];
	p0 =	sne.s32 s2, $0x0  }
0x3e: {  	s3 =	rddreg [dreg:$0x2];
	[bflag:$0x3] =	sbarrier.arrive $0xFFFF;
	s2 =	simm.s32 @!p0 $0x1C01  }
0x3f: {  	[timem:s3], [sflag:s2] =	dma.local @!p0 [hbm:s0], s1  }
0x40: {  	s0 =	simm.s32 @!p0 $0x1  }
0x41: {  	_ =	swait.ge @!p0 [sflag:s0], s1  }
0x42: {  	s1 =	ssub.s32 @!p0 $0x0, s1;
	[sflag:s0] =	ssyncset.done @!p0 $0x0  }
0x43: {  	[sflag:s0] =	ssyncadd.s32 @!p0 s1  }
0x44: {  	[bflag:$0x3] =	sbarrier.arrive $0xFFFF  }
0x45: {  	_ =	shalt  }

</sc_bundles>
